<compile_context>
chip_gen: v7x
topology: tpu7x:2x2x1
jax: 0.10.2.dev20260603
libtpu: 0.0.44.dev20260713+nightly
codegen_flags: <defaults>
</compile_context>

<pallas_src>
import functools

import jax
import jax.numpy as jnp
from jax import lax
from jax.experimental import pallas as pl
from jax.experimental.pallas import tpu as pltpu
from jax.experimental.pallas import tpu_sc as plsc

N, H, W, C = 8, 112, 112, 96
PAIRS = N * H * W * C
OUT_SIZE = 4 * PAIRS
NWIN = 24
WSZ = OUT_SIZE // NWIN
TRASH = 8192
NTILES = 16
PER_TILE = PAIRS // NTILES
CH = 7168
NCHUNK = PER_TILE // CH
VPC = CH // 16
SEG = WSZ // NTILES


def _scatter_kernel(idx_hbm, val_hbm, out_hbm, idx_v0, idx_v1, val_v0,
                    val_v1, acc_sh, lsem0, lsem1, ssem0, ssem1):
    idx_b = (idx_v0, idx_v1)
    val_b = (val_v0, val_v1)
    lsem = (lsem0, lsem1)
    ssem = (ssem0, ssem1)
    c = lax.axis_index("c")
    tid = lax.axis_index("s")
    tbase = tid * CH

    def win_body(wi, carry):
        w = wi * 2 + c
        base = w * WSZ

        def zinit(i, carry2):
            val_v0[pl.ds(i * 16, 16)] = jnp.zeros((16,), jnp.float32)
            return carry2
        lax.fori_loop(0, CH // 16, zinit, 0)
        for z in range(SEG // CH):
            pltpu.sync_copy(val_v0, acc_sh.at[pl.ds(tid * SEG + z * CH, CH)])
        plsc.subcore_barrier()

        pltpu.async_copy(idx_hbm.at[pl.ds(tbase, CH)], idx_b[0], lsem[0])
        pltpu.async_copy(val_hbm.at[pl.ds(tbase, CH)], val_b[0], lsem[0])

        def ch2_body(j, carry2):
            for b in range(2):
                ci = j * 2 + b
                cur, nxt = b, 1 - b
                pltpu.make_async_copy(
                    idx_hbm.at[pl.ds(tbase, CH)], idx_b[cur], lsem[cur]).wait()
                pltpu.make_async_copy(
                    val_hbm.at[pl.ds(tbase, CH)], val_b[cur], lsem[cur]).wait()

                def v_body(i, carry3):
                    for u in range(16):
                        o = i * 256 + u * 16
                        iv = idx_b[cur][pl.ds(o, 16)]
                        rel = iv - base
                        inb = plsc.bitcast(rel, jnp.uint32) < jnp.uint32(WSZ)
                        tr = (rel & (TRASH - 1)) + WSZ
                        idx_b[cur][pl.ds(o, 16)] = jnp.where(inb, rel, tr)
                    return carry3
                lax.fori_loop(0, VPC // 16, v_body, 0)

                @pl.when(ci >= 1)
                def _():
                    pltpu.make_async_copy(
                        val_b[nxt], acc_sh.at[idx_b[nxt]], ssem[nxt]).wait()

                pltpu.async_copy(val_b[cur], acc_sh.at[idx_b[cur]],
                                 ssem[cur], add=True)

                @pl.when(ci + 1 < NCHUNK)
                def _():
                    off = tbase + (ci + 1) * (NTILES * CH)
                    pltpu.async_copy(idx_hbm.at[pl.ds(off, CH)],
                                     idx_b[nxt], lsem[nxt])
                    pltpu.async_copy(val_hbm.at[pl.ds(off, CH)],
                                     val_b[nxt], lsem[nxt])
            return carry2
        lax.fori_loop(0, NCHUNK // 2, ch2_body, 0)

        pltpu.make_async_copy(val_b[1], acc_sh.at[idx_b[1]], ssem[1]).wait()
        plsc.subcore_barrier()

        pltpu.sync_copy(acc_sh.at[pl.ds(tid * SEG, SEG)],
                        out_hbm.at[pl.ds(base + tid * SEG, SEG)])
        plsc.subcore_barrier()
        return carry
    lax.fori_loop(0, NWIN // 2, win_body, 0)


@jax.jit
def kernel(x, argmax):
    n, h, w, ch = x.shape
    idx_flat = argmax.reshape(-1).astype(jnp.int32)
    val_flat = x.reshape(-1)

    mesh = plsc.VectorSubcoreMesh(core_axis_name="c", subcore_axis_name="s")
    run = functools.partial(
        pl.kernel, mesh=mesh,
        out_type=jax.ShapeDtypeStruct((OUT_SIZE,), jnp.float32),
        scratch_types=[
            pltpu.VMEM((CH,), jnp.int32),
            pltpu.VMEM((CH,), jnp.int32),
            pltpu.VMEM((CH,), jnp.float32),
            pltpu.VMEM((CH,), jnp.float32),
            pltpu.VMEM_SHARED((WSZ + TRASH,), jnp.float32),
            pltpu.SemaphoreType.DMA,
            pltpu.SemaphoreType.DMA,
            pltpu.SemaphoreType.DMA,
            pltpu.SemaphoreType.DMA,
        ],
    )(_scatter_kernel)
    out_flat = run(idx_flat, val_flat)
    return out_flat.reshape(n, 2 * h, 2 * w, ch)

# --- scband reference (transcript-rebuilt; emitter-appended) ---
"""Pipeline reference for scband-max-unpool-from-argmax-75917841924239 (READ-ONLY COPY).

The authoritative reference and input builder live on the scoring server;
editing this copy changes nothing except your own understanding.
"""

import jax, jax.numpy as jnp
import numpy as np


def setup_inputs(seed: int = 0) -> dict:
    key = jax.random.key(seed)
    k1, k2 = jax.random.split(key)
    N, H, W, C = 8, 112, 112, 96
    x = jax.random.normal(k1, (N, H, W, C), dtype=jnp.float32)
    out_size = 4 * N * H * W * C
    argmax = jax.random.randint(k2, (N, H, W, C), 0, out_size, dtype=jnp.int64)
    return {"x": x, "argmax": argmax}


def reference(x, argmax):
    # Faithful translation of tf.scatter_nd-based max-unpool:
    # tf.scatter_nd accumulates (adds) duplicate indices, so use .at[].add
    N, H, W, C = x.shape
    out_size = 4 * N * H * W * C
    flat_idx = argmax.reshape(-1)
    updates = x.reshape(-1)
    out_flat = jnp.zeros((out_size,), dtype=jnp.float32).at[flat_idx].add(updates)
    output = out_flat.reshape(N, H * 2, W * 2, C)
    return output

if __name__ == "__main__":
    import jax
    _d = setup_inputs()
    print(jax.jit(kernel)(*tuple(_d.values())))

</pallas_src>

<mosaic_0001>
#map = affine_map<(d0, d1) -> (0)>
module attributes {stable_mosaic.version = 14 : i64} {
  func.func @_scatter_kernel(%arg0: i32, %arg1: i32, %arg2: memref<9633792xi32, #tpu.memory_space<hbm>>, %arg3: memref<9633792xf32, #tpu.memory_space<hbm>>, %arg4: memref<38535168xf32, #tpu.memory_space<hbm>>, %arg5: memref<7168xi32, #tpu.memory_space<vmem>>, %arg6: memref<7168xi32, #tpu.memory_space<vmem>>, %arg7: memref<7168xf32, #tpu.memory_space<vmem>>, %arg8: memref<7168xf32, #tpu.memory_space<vmem>>, %arg9: memref<1613824xf32, #tpu.memory_space<vmem_shared>>, %arg10: memref<!tpu.dma_semaphore, #tpu.memory_space<semaphore_mem>>, %arg11: memref<!tpu.dma_semaphore, #tpu.memory_space<semaphore_mem>>, %arg12: memref<!tpu.dma_semaphore, #tpu.memory_space<semaphore_mem>>, %arg13: memref<!tpu.dma_semaphore, #tpu.memory_space<semaphore_mem>>) attributes {dimension_semantics = [#tpu.dimension_semantics<core_parallel>, #tpu.dimension_semantics<subcore_parallel>], iteration_bounds = array<i64: 2, 16>, scalar_prefetch = 0 : i64, scratch_operands = 9 : i64, tpu.core_type = #tpu.core_type<sc_vector_subcore>, window_params = [{transform_indices = #map}, {transform_indices = #map}, {transform_indices = #map}]} {
    %mul3A = arith.constant 7168 : i32
    %mul3A_0 = arith.muli %arg1, %mul3A : i32
    %scan3A = arith.constant 0 : i32
    %scan3A_1 = arith.constant 0 : i32
    %scan3A_2 = arith.constant 12 : i32
    %scan3A_3 = arith.addi %scan3A_1, %scan3A_2 : i32
    %scan3A_4 = arith.constant 1 : i32
    scf.for %scan3A_6 = %scan3A_1 to %scan3A_3 step %scan3A_4  : i32 {
      %mul3A_7 = arith.constant 2 : i32
      %mul3A_8 = arith.muli %scan3A_6, %mul3A_7 : i32
      %add3A = arith.addi %mul3A_8, %arg0 : i32
      %mul3A_9 = arith.constant 1605632 : i32
      %mul3A_10 = arith.muli %add3A, %mul3A_9 : i32
      %scan3A_11 = arith.constant 0 : i32
      %scan3A_12 = arith.constant 0 : i32
      %scan3A_13 = arith.constant 448 : i32
      %scan3A_14 = arith.addi %scan3A_12, %scan3A_13 : i32
      %scan3A_15 = arith.constant 1 : i32
      scf.for %scan3A_90 = %scan3A_12 to %scan3A_14 step %scan3A_15  : i32 {
        %broadcast_in_dim3A = arith.constant 0.000000e+00 : f32
        %broadcast_in_dim3A_91 = vector.broadcast %broadcast_in_dim3A : f32 to vector<16xf32>
        %mul3A_92 = arith.constant 16 : i32
        %mul3A_93 = arith.muli %scan3A_90, %mul3A_92 : i32
        %swap3A = arith.index_cast %mul3A_93 : i32 to index
        %swap3A_94 = tpu.vector_load %arg7[%swap3A] {strides = array<i32>} : memref<7168xf32, #tpu.memory_space<vmem>>, vector<16xf32>,
        %swap3A_95 = vector.shape_cast %swap3A_94 : vector<16xf32> to vector<16xf32>
        %swap3A_96 = vector.shape_cast %broadcast_in_dim3A_91 : vector<16xf32> to vector<16xf32>
        tpu.vector_store %arg7[%swap3A], %swap3A_96 {strides = array<i32>} : memref<7168xf32, #tpu.memory_space<vmem>>, vector<16xf32>,
      }
      %scan3A_16 = arith.constant 448 : i32
      %mul3A_17 = arith.constant 100352 : i32
      %mul3A_18 = arith.muli %arg1, %mul3A_17 : i32
      %add3A_19 = arith.constant 0 : i32
      %add3A_20 = arith.addi %mul3A_18, %add3A_19 : i32
      "tpu.region"() ({
        %run_scoped3A = tpu.sem_alloc : memref<!tpu.dma_semaphore, #tpu.memory_space<semaphore_mem>>
        %dma_start3A_90 = tpu.memref_slice %arg9[%add3A_20] : memref<1613824xf32, #tpu.memory_space<vmem_shared>> -> memref<7168xf32, #tpu.memory_space<vmem_shared>>
        %dma_start3A_91 = tpu.memref_slice %arg9[%add3A_20] : memref<1613824xf32, #tpu.memory_space<vmem_shared>> -> memref<7168xf32, #tpu.memory_space<vmem_shared>>
        tpu.enqueue_dma source(%arg7 : memref<7168xf32, #tpu.memory_space<vmem>>) target(%dma_start3A_91 : memref<7168xf32, #tpu.memory_space<vmem_shared>>) target_semaphore(%run_scoped3A : memref<!tpu.dma_semaphore, #tpu.memory_space<semaphore_mem>>)
        %dma_wait3A_92 = tpu.memref_slice %arg9[%add3A_20] : memref<1613824xf32, #tpu.memory_space<vmem_shared>> -> memref<7168xf32, #tpu.memory_space<vmem_shared>>
        %dma_wait3A_93 = tpu.memref_slice %arg9[%add3A_20] : memref<1613824xf32, #tpu.memory_space<vmem_shared>> -> memref<7168xf32, #tpu.memory_space<vmem_shared>>
        tpu.wait_dma2 semaphore(%run_scoped3A : memref<!tpu.dma_semaphore, #tpu.memory_space<semaphore_mem>>) src(%arg7 : memref<7168xf32, #tpu.memory_space<vmem>>) dst(%dma_wait3A_93 : memref<7168xf32, #tpu.memory_space<vmem_shared>>)
        tpu.yield
      }) : () -> ()
      %mul3A_21 = arith.constant 100352 : i32
      %mul3A_22 = arith.muli %arg1, %mul3A_21 : i32
      %add3A_23 = arith.constant 7168 : i32
      %add3A_24 = arith.addi %mul3A_22, %add3A_23 : i32
      "tpu.region"() ({
        %run_scoped3A = tpu.sem_alloc : memref<!tpu.dma_semaphore, #tpu.memory_space<semaphore_mem>>
        %dma_start3A_90 = tpu.memref_slice %arg9[%add3A_24] : memref<1613824xf32, #tpu.memory_space<vmem_shared>> -> memref<7168xf32, #tpu.memory_space<vmem_shared>>
        %dma_start3A_91 = tpu.memref_slice %arg9[%add3A_24] : memref<1613824xf32, #tpu.memory_space<vmem_shared>> -> memref<7168xf32, #tpu.memory_space<vmem_shared>>
        tpu.enqueue_dma source(%arg7 : memref<7168xf32, #tpu.memory_space<vmem>>) target(%dma_start3A_91 : memref<7168xf32, #tpu.memory_space<vmem_shared>>) target_semaphore(%run_scoped3A : memref<!tpu.dma_semaphore, #tpu.memory_space<semaphore_mem>>)
        %dma_wait3A_92 = tpu.memref_slice %arg9[%add3A_24] : memref<1613824xf32, #tpu.memory_space<vmem_shared>> -> memref<7168xf32, #tpu.memory_space<vmem_shared>>
        %dma_wait3A_93 = tpu.memref_slice %arg9[%add3A_24] : memref<1613824xf32, #tpu.memory_space<vmem_shared>> -> memref<7168xf32, #tpu.memory_space<vmem_shared>>
        tpu.wait_dma2 semaphore(%run_scoped3A : memref<!tpu.dma_semaphore, #tpu.memory_space<semaphore_mem>>) src(%arg7 : memref<7168xf32, #tpu.memory_space<vmem>>) dst(%dma_wait3A_93 : memref<7168xf32, #tpu.memory_space<vmem_shared>>)
        tpu.yield
      }) : () -> ()
      %mul3A_25 = arith.constant 100352 : i32
      %mul3A_26 = arith.muli %arg1, %mul3A_25 : i32
      %add3A_27 = arith.constant 14336 : i32
      %add3A_28 = arith.addi %mul3A_26, %add3A_27 : i32
      "tpu.region"() ({
        %run_scoped3A = tpu.sem_alloc : memref<!tpu.dma_semaphore, #tpu.memory_space<semaphore_mem>>
        %dma_start3A_90 = tpu.memref_slice %arg9[%add3A_28] : memref<1613824xf32, #tpu.memory_space<vmem_shared>> -> memref<7168xf32, #tpu.memory_space<vmem_shared>>
        %dma_start3A_91 = tpu.memref_slice %arg9[%add3A_28] : memref<1613824xf32, #tpu.memory_space<vmem_shared>> -> memref<7168xf32, #tpu.memory_space<vmem_shared>>
        tpu.enqueue_dma source(%arg7 : memref<7168xf32, #tpu.memory_space<vmem>>) target(%dma_start3A_91 : memref<7168xf32, #tpu.memory_space<vmem_shared>>) target_semaphore(%run_scoped3A : memref<!tpu.dma_semaphore, #tpu.memory_space<semaphore_mem>>)
        %dma_wait3A_92 = tpu.memref_slice %arg9[%add3A_28] : memref<1613824xf32, #tpu.memory_space<vmem_shared>> -> memref<7168xf32, #tpu.memory_space<vmem_shared>>
        %dma_wait3A_93 = tpu.memref_slice %arg9[%add3A_28] : memref<1613824xf32, #tpu.memory_space<vmem_shared>> -> memref<7168xf32, #tpu.memory_space<vmem_shared>>
        tpu.wait_dma2 semaphore(%run_scoped3A : memref<!tpu.dma_semaphore, #tpu.memory_space<semaphore_mem>>) src(%arg7 : memref<7168xf32, #tpu.memory_space<vmem>>) dst(%dma_wait3A_93 : memref<7168xf32, #tpu.memory_space<vmem_shared>>)
        tpu.yield
      }) : () -> ()
      %mul3A_29 = arith.constant 100352 : i32
      %mul3A_30 = arith.muli %arg1, %mul3A_29 : i32
      %add3A_31 = arith.constant 21504 : i32
      %add3A_32 = arith.addi %mul3A_30, %add3A_31 : i32
      "tpu.region"() ({
        %run_scoped3A = tpu.sem_alloc : memref<!tpu.dma_semaphore, #tpu.memory_space<semaphore_mem>>
        %dma_start3A_90 = tpu.memref_slice %arg9[%add3A_32] : memref<1613824xf32, #tpu.memory_space<vmem_shared>> -> memref<7168xf32, #tpu.memory_space<vmem_shared>>
        %dma_start3A_91 = tpu.memref_slice %arg9[%add3A_32] : memref<1613824xf32, #tpu.memory_space<vmem_shared>> -> memref<7168xf32, #tpu.memory_space<vmem_shared>>
        tpu.enqueue_dma source(%arg7 : memref<7168xf32, #tpu.memory_space<vmem>>) target(%dma_start3A_91 : memref<7168xf32, #tpu.memory_space<vmem_shared>>) target_semaphore(%run_scoped3A : memref<!tpu.dma_semaphore, #tpu.memory_space<semaphore_mem>>)
        %dma_wait3A_92 = tpu.memref_slice %arg9[%add3A_32] : memref<1613824xf32, #tpu.memory_space<vmem_shared>> -> memref<7168xf32, #tpu.memory_space<vmem_shared>>
        %dma_wait3A_93 = tpu.memref_slice %arg9[%add3A_32] : memref<1613824xf32, #tpu.memory_space<vmem_shared>> -> memref<7168xf32, #tpu.memory_space<vmem_shared>>
        tpu.wait_dma2 semaphore(%run_scoped3A : memref<!tpu.dma_semaphore, #tpu.memory_space<semaphore_mem>>) src(%arg7 : memref<7168xf32, #tpu.memory_space<vmem>>) dst(%dma_wait3A_93 : memref<7168xf32, #tpu.memory_space<vmem_shared>>)
        tpu.yield
      }) : () -> ()
      %mul3A_33 = arith.constant 100352 : i32
      %mul3A_34 = arith.muli %arg1, %mul3A_33 : i32
      %add3A_35 = arith.constant 28672 : i32
      %add3A_36 = arith.addi %mul3A_34, %add3A_35 : i32
      "tpu.region"() ({
        %run_scoped3A = tpu.sem_alloc : memref<!tpu.dma_semaphore, #tpu.memory_space<semaphore_mem>>
        %dma_start3A_90 = tpu.memref_slice %arg9[%add3A_36] : memref<1613824xf32, #tpu.memory_space<vmem_shared>> -> memref<7168xf32, #tpu.memory_space<vmem_shared>>
        %dma_start3A_91 = tpu.memref_slice %arg9[%add3A_36] : memref<1613824xf32, #tpu.memory_space<vmem_shared>> -> memref<7168xf32, #tpu.memory_space<vmem_shared>>
        tpu.enqueue_dma source(%arg7 : memref<7168xf32, #tpu.memory_space<vmem>>) target(%dma_start3A_91 : memref<7168xf32, #tpu.memory_space<vmem_shared>>) target_semaphore(%run_scoped3A : memref<!tpu.dma_semaphore, #tpu.memory_space<semaphore_mem>>)
        %dma_wait3A_92 = tpu.memref_slice %arg9[%add3A_36] : memref<1613824xf32, #tpu.memory_space<vmem_shared>> -> memref<7168xf32, #tpu.memory_space<vmem_shared>>
        %dma_wait3A_93 = tpu.memref_slice %arg9[%add3A_36] : memref<1613824xf32, #tpu.memory_space<vmem_shared>> -> memref<7168xf32, #tpu.memory_space<vmem_shared>>
        tpu.wait_dma2 semaphore(%run_scoped3A : memref<!tpu.dma_semaphore, #tpu.memory_space<semaphore_mem>>) src(%arg7 : memref<7168xf32, #tpu.memory_space<vmem>>) dst(%dma_wait3A_93 : memref<7168xf32, #tpu.memory_space<vmem_shared>>)
        tpu.yield
      }) : () -> ()
      %mul3A_37 = arith.constant 100352 : i32
      %mul3A_38 = arith.muli %arg1, %mul3A_37 : i32
      %add3A_39 = arith.constant 35840 : i32
      %add3A_40 = arith.addi %mul3A_38, %add3A_39 : i32
      "tpu.region"() ({
        %run_scoped3A = tpu.sem_alloc : memref<!tpu.dma_semaphore, #tpu.memory_space<semaphore_mem>>
        %dma_start3A_90 = tpu.memref_slice %arg9[%add3A_40] : memref<1613824xf32, #tpu.memory_space<vmem_shared>> -> memref<7168xf32, #tpu.memory_space<vmem_shared>>
        %dma_start3A_91 = tpu.memref_slice %arg9[%add3A_40] : memref<1613824xf32, #tpu.memory_space<vmem_shared>> -> memref<7168xf32, #tpu.memory_space<vmem_shared>>
        tpu.enqueue_dma source(%arg7 : memref<7168xf32, #tpu.memory_space<vmem>>) target(%dma_start3A_91 : memref<7168xf32, #tpu.memory_space<vmem_shared>>) target_semaphore(%run_scoped3A : memref<!tpu.dma_semaphore, #tpu.memory_space<semaphore_mem>>)
        %dma_wait3A_92 = tpu.memref_slice %arg9[%add3A_40] : memref<1613824xf32, #tpu.memory_space<vmem_shared>> -> memref<7168xf32, #tpu.memory_space<vmem_shared>>
        %dma_wait3A_93 = tpu.memref_slice %arg9[%add3A_40] : memref<1613824xf32, #tpu.memory_space<vmem_shared>> -> memref<7168xf32, #tpu.memory_space<vmem_shared>>
        tpu.wait_dma2 semaphore(%run_scoped3A : memref<!tpu.dma_semaphore, #tpu.memory_space<semaphore_mem>>) src(%arg7 : memref<7168xf32, #tpu.memory_space<vmem>>) dst(%dma_wait3A_93 : memref<7168xf32, #tpu.memory_space<vmem_shared>>)
        tpu.yield
      }) : () -> ()
      %mul3A_41 = arith.constant 100352 : i32
      %mul3A_42 = arith.muli %arg1, %mul3A_41 : i32
      %add3A_43 = arith.constant 43008 : i32
      %add3A_44 = arith.addi %mul3A_42, %add3A_43 : i32
      "tpu.region"() ({
        %run_scoped3A = tpu.sem_alloc : memref<!tpu.dma_semaphore, #tpu.memory_space<semaphore_mem>>
        %dma_start3A_90 = tpu.memref_slice %arg9[%add3A_44] : memref<1613824xf32, #tpu.memory_space<vmem_shared>> -> memref<7168xf32, #tpu.memory_space<vmem_shared>>
        %dma_start3A_91 = tpu.memref_slice %arg9[%add3A_44] : memref<1613824xf32, #tpu.memory_space<vmem_shared>> -> memref<7168xf32, #tpu.memory_space<vmem_shared>>
        tpu.enqueue_dma source(%arg7 : memref<7168xf32, #tpu.memory_space<vmem>>) target(%dma_start3A_91 : memref<7168xf32, #tpu.memory_space<vmem_shared>>) target_semaphore(%run_scoped3A : memref<!tpu.dma_semaphore, #tpu.memory_space<semaphore_mem>>)
        %dma_wait3A_92 = tpu.memref_slice %arg9[%add3A_44] : memref<1613824xf32, #tpu.memory_space<vmem_shared>> -> memref<7168xf32, #tpu.memory_space<vmem_shared>>
        %dma_wait3A_93 = tpu.memref_slice %arg9[%add3A_44] : memref<1613824xf32, #tpu.memory_space<vmem_shared>> -> memref<7168xf32, #tpu.memory_space<vmem_shared>>
        tpu.wait_dma2 semaphore(%run_scoped3A : memref<!tpu.dma_semaphore, #tpu.memory_space<semaphore_mem>>) src(%arg7 : memref<7168xf32, #tpu.memory_space<vmem>>) dst(%dma_wait3A_93 : memref<7168xf32, #tpu.memory_space<vmem_shared>>)
        tpu.yield
      }) : () -> ()
      %mul3A_45 = arith.constant 100352 : i32
      %mul3A_46 = arith.muli %arg1, %mul3A_45 : i32
      %add3A_47 = arith.constant 50176 : i32
      %add3A_48 = arith.addi %mul3A_46, %add3A_47 : i32
      "tpu.region"() ({
        %run_scoped3A = tpu.sem_alloc : memref<!tpu.dma_semaphore, #tpu.memory_space<semaphore_mem>>
        %dma_start3A_90 = tpu.memref_slice %arg9[%add3A_48] : memref<1613824xf32, #tpu.memory_space<vmem_shared>> -> memref<7168xf32, #tpu.memory_space<vmem_shared>>
        %dma_start3A_91 = tpu.memref_slice %arg9[%add3A_48] : memref<1613824xf32, #tpu.memory_space<vmem_shared>> -> memref<7168xf32, #tpu.memory_space<vmem_shared>>
        tpu.enqueue_dma source(%arg7 : memref<7168xf32, #tpu.memory_space<vmem>>) target(%dma_start3A_91 : memref<7168xf32, #tpu.memory_space<vmem_shared>>) target_semaphore(%run_scoped3A : memref<!tpu.dma_semaphore, #tpu.memory_space<semaphore_mem>>)
        %dma_wait3A_92 = tpu.memref_slice %arg9[%add3A_48] : memref<1613824xf32, #tpu.memory_space<vmem_shared>> -> memref<7168xf32, #tpu.memory_space<vmem_shared>>
        %dma_wait3A_93 = tpu.memref_slice %arg9[%add3A_48] : memref<1613824xf32, #tpu.memory_space<vmem_shared>> -> memref<7168xf32, #tpu.memory_space<vmem_shared>>
        tpu.wait_dma2 semaphore(%run_scoped3A : memref<!tpu.dma_semaphore, #tpu.memory_space<semaphore_mem>>) src(%arg7 : memref<7168xf32, #tpu.memory_space<vmem>>) dst(%dma_wait3A_93 : memref<7168xf32, #tpu.memory_space<vmem_shared>>)
        tpu.yield
      }) : () -> ()
      %mul3A_49 = arith.constant 100352 : i32
      %mul3A_50 = arith.muli %arg1, %mul3A_49 : i32
      %add3A_51 = arith.constant 57344 : i32
      %add3A_52 = arith.addi %mul3A_50, %add3A_51 : i32
      "tpu.region"() ({
        %run_scoped3A = tpu.sem_alloc : memref<!tpu.dma_semaphore, #tpu.memory_space<semaphore_mem>>
        %dma_start3A_90 = tpu.memref_slice %arg9[%add3A_52] : memref<1613824xf32, #tpu.memory_space<vmem_shared>> -> memref<7168xf32, #tpu.memory_space<vmem_shared>>
        %dma_start3A_91 = tpu.memref_slice %arg9[%add3A_52] : memref<1613824xf32, #tpu.memory_space<vmem_shared>> -> memref<7168xf32, #tpu.memory_space<vmem_shared>>
        tpu.enqueue_dma source(%arg7 : memref<7168xf32, #tpu.memory_space<vmem>>) target(%dma_start3A_91 : memref<7168xf32, #tpu.memory_space<vmem_shared>>) target_semaphore(%run_scoped3A : memref<!tpu.dma_semaphore, #tpu.memory_space<semaphore_mem>>)
        %dma_wait3A_92 = tpu.memref_slice %arg9[%add3A_52] : memref<1613824xf32, #tpu.memory_space<vmem_shared>> -> memref<7168xf32, #tpu.memory_space<vmem_shared>>
        %dma_wait3A_93 = tpu.memref_slice %arg9[%add3A_52] : memref<1613824xf32, #tpu.memory_space<vmem_shared>> -> memref<7168xf32, #tpu.memory_space<vmem_shared>>
        tpu.wait_dma2 semaphore(%run_scoped3A : memref<!tpu.dma_semaphore, #tpu.memory_space<semaphore_mem>>) src(%arg7 : memref<7168xf32, #tpu.memory_space<vmem>>) dst(%dma_wait3A_93 : memref<7168xf32, #tpu.memory_space<vmem_shared>>)
        tpu.yield
      }) : () -> ()
      %mul3A_53 = arith.constant 100352 : i32
      %mul3A_54 = arith.muli %arg1, %mul3A_53 : i32
      %add3A_55 = arith.constant 64512 : i32
      %add3A_56 = arith.addi %mul3A_54, %add3A_55 : i32
      "tpu.region"() ({
        %run_scoped3A = tpu.sem_alloc : memref<!tpu.dma_semaphore, #tpu.memory_space<semaphore_mem>>
        %dma_start3A_90 = tpu.memref_slice %arg9[%add3A_56] : memref<1613824xf32, #tpu.memory_space<vmem_shared>> -> memref<7168xf32, #tpu.memory_space<vmem_shared>>
        %dma_start3A_91 = tpu.memref_slice %arg9[%add3A_56] : memref<1613824xf32, #tpu.memory_space<vmem_shared>> -> memref<7168xf32, #tpu.memory_space<vmem_shared>>
        tpu.enqueue_dma source(%arg7 : memref<7168xf32, #tpu.memory_space<vmem>>) target(%dma_start3A_91 : memref<7168xf32, #tpu.memory_space<vmem_shared>>) target_semaphore(%run_scoped3A : memref<!tpu.dma_semaphore, #tpu.memory_space<semaphore_mem>>)
        %dma_wait3A_92 = tpu.memref_slice %arg9[%add3A_56] : memref<1613824xf32, #tpu.memory_space<vmem_shared>> -> memref<7168xf32, #tpu.memory_space<vmem_shared>>
        %dma_wait3A_93 = tpu.memref_slice %arg9[%add3A_56] : memref<1613824xf32, #tpu.memory_space<vmem_shared>> -> memref<7168xf32, #tpu.memory_space<vmem_shared>>
        tpu.wait_dma2 semaphore(%run_scoped3A : memref<!tpu.dma_semaphore, #tpu.memory_space<semaphore_mem>>) src(%arg7 : memref<7168xf32, #tpu.memory_space<vmem>>) dst(%dma_wait3A_93 : memref<7168xf32, #tpu.memory_space<vmem_shared>>)
        tpu.yield
      }) : () -> ()
      %mul3A_57 = arith.constant 100352 : i32
      %mul3A_58 = arith.muli %arg1, %mul3A_57 : i32
      %add3A_59 = arith.constant 71680 : i32
      %add3A_60 = arith.addi %mul3A_58, %add3A_59 : i32
      "tpu.region"() ({
        %run_scoped3A = tpu.sem_alloc : memref<!tpu.dma_semaphore, #tpu.memory_space<semaphore_mem>>
        %dma_start3A_90 = tpu.memref_slice %arg9[%add3A_60] : memref<1613824xf32, #tpu.memory_space<vmem_shared>> -> memref<7168xf32, #tpu.memory_space<vmem_shared>>
        %dma_start3A_91 = tpu.memref_slice %arg9[%add3A_60] : memref<1613824xf32, #tpu.memory_space<vmem_shared>> -> memref<7168xf32, #tpu.memory_space<vmem_shared>>
        tpu.enqueue_dma source(%arg7 : memref<7168xf32, #tpu.memory_space<vmem>>) target(%dma_start3A_91 : memref<7168xf32, #tpu.memory_space<vmem_shared>>) target_semaphore(%run_scoped3A : memref<!tpu.dma_semaphore, #tpu.memory_space<semaphore_mem>>)
        %dma_wait3A_92 = tpu.memref_slice %arg9[%add3A_60] : memref<1613824xf32, #tpu.memory_space<vmem_shared>> -> memref<7168xf32, #tpu.memory_space<vmem_shared>>
        %dma_wait3A_93 = tpu.memref_slice %arg9[%add3A_60] : memref<1613824xf32, #tpu.memory_space<vmem_shared>> -> memref<7168xf32, #tpu.memory_space<vmem_shared>>
        tpu.wait_dma2 semaphore(%run_scoped3A : memref<!tpu.dma_semaphore, #tpu.memory_space<semaphore_mem>>) src(%arg7 : memref<7168xf32, #tpu.memory_space<vmem>>) dst(%dma_wait3A_93 : memref<7168xf32, #tpu.memory_space<vmem_shared>>)
        tpu.yield
      }) : () -> ()
      %mul3A_61 = arith.constant 100352 : i32
      %mul3A_62 = arith.muli %arg1, %mul3A_61 : i32
      %add3A_63 = arith.constant 78848 : i32
      %add3A_64 = arith.addi %mul3A_62, %add3A_63 : i32
      "tpu.region"() ({
        %run_scoped3A = tpu.sem_alloc : memref<!tpu.dma_semaphore, #tpu.memory_space<semaphore_mem>>
        %dma_start3A_90 = tpu.memref_slice %arg9[%add3A_64] : memref<1613824xf32, #tpu.memory_space<vmem_shared>> -> memref<7168xf32, #tpu.memory_space<vmem_shared>>
        %dma_start3A_91 = tpu.memref_slice %arg9[%add3A_64] : memref<1613824xf32, #tpu.memory_space<vmem_shared>> -> memref<7168xf32, #tpu.memory_space<vmem_shared>>
        tpu.enqueue_dma source(%arg7 : memref<7168xf32, #tpu.memory_space<vmem>>) target(%dma_start3A_91 : memref<7168xf32, #tpu.memory_space<vmem_shared>>) target_semaphore(%run_scoped3A : memref<!tpu.dma_semaphore, #tpu.memory_space<semaphore_mem>>)
        %dma_wait3A_92 = tpu.memref_slice %arg9[%add3A_64] : memref<1613824xf32, #tpu.memory_space<vmem_shared>> -> memref<7168xf32, #tpu.memory_space<vmem_shared>>
        %dma_wait3A_93 = tpu.memref_slice %arg9[%add3A_64] : memref<1613824xf32, #tpu.memory_space<vmem_shared>> -> memref<7168xf32, #tpu.memory_space<vmem_shared>>
        tpu.wait_dma2 semaphore(%run_scoped3A : memref<!tpu.dma_semaphore, #tpu.memory_space<semaphore_mem>>) src(%arg7 : memref<7168xf32, #tpu.memory_space<vmem>>) dst(%dma_wait3A_93 : memref<7168xf32, #tpu.memory_space<vmem_shared>>)
        tpu.yield
      }) : () -> ()
      %mul3A_65 = arith.constant 100352 : i32
      %mul3A_66 = arith.muli %arg1, %mul3A_65 : i32
      %add3A_67 = arith.constant 86016 : i32
      %add3A_68 = arith.addi %mul3A_66, %add3A_67 : i32
      "tpu.region"() ({
        %run_scoped3A = tpu.sem_alloc : memref<!tpu.dma_semaphore, #tpu.memory_space<semaphore_mem>>
        %dma_start3A_90 = tpu.memref_slice %arg9[%add3A_68] : memref<1613824xf32, #tpu.memory_space<vmem_shared>> -> memref<7168xf32, #tpu.memory_space<vmem_shared>>
        %dma_start3A_91 = tpu.memref_slice %arg9[%add3A_68] : memref<1613824xf32, #tpu.memory_space<vmem_shared>> -> memref<7168xf32, #tpu.memory_space<vmem_shared>>
        tpu.enqueue_dma source(%arg7 : memref<7168xf32, #tpu.memory_space<vmem>>) target(%dma_start3A_91 : memref<7168xf32, #tpu.memory_space<vmem_shared>>) target_semaphore(%run_scoped3A : memref<!tpu.dma_semaphore, #tpu.memory_space<semaphore_mem>>)
        %dma_wait3A_92 = tpu.memref_slice %arg9[%add3A_68] : memref<1613824xf32, #tpu.memory_space<vmem_shared>> -> memref<7168xf32, #tpu.memory_space<vmem_shared>>
        %dma_wait3A_93 = tpu.memref_slice %arg9[%add3A_68] : memref<1613824xf32, #tpu.memory_space<vmem_shared>> -> memref<7168xf32, #tpu.memory_space<vmem_shared>>
        tpu.wait_dma2 semaphore(%run_scoped3A : memref<!tpu.dma_semaphore, #tpu.memory_space<semaphore_mem>>) src(%arg7 : memref<7168xf32, #tpu.memory_space<vmem>>) dst(%dma_wait3A_93 : memref<7168xf32, #tpu.memory_space<vmem_shared>>)
        tpu.yield
      }) : () -> ()
      %mul3A_69 = arith.constant 100352 : i32
      %mul3A_70 = arith.muli %arg1, %mul3A_69 : i32
      %add3A_71 = arith.constant 93184 : i32
      %add3A_72 = arith.addi %mul3A_70, %add3A_71 : i32
      "tpu.region"() ({
        %run_scoped3A = tpu.sem_alloc : memref<!tpu.dma_semaphore, #tpu.memory_space<semaphore_mem>>
        %dma_start3A_90 = tpu.memref_slice %arg9[%add3A_72] : memref<1613824xf32, #tpu.memory_space<vmem_shared>> -> memref<7168xf32, #tpu.memory_space<vmem_shared>>
        %dma_start3A_91 = tpu.memref_slice %arg9[%add3A_72] : memref<1613824xf32, #tpu.memory_space<vmem_shared>> -> memref<7168xf32, #tpu.memory_space<vmem_shared>>
        tpu.enqueue_dma source(%arg7 : memref<7168xf32, #tpu.memory_space<vmem>>) target(%dma_start3A_91 : memref<7168xf32, #tpu.memory_space<vmem_shared>>) target_semaphore(%run_scoped3A : memref<!tpu.dma_semaphore, #tpu.memory_space<semaphore_mem>>)
        %dma_wait3A_92 = tpu.memref_slice %arg9[%add3A_72] : memref<1613824xf32, #tpu.memory_space<vmem_shared>> -> memref<7168xf32, #tpu.memory_space<vmem_shared>>
        %dma_wait3A_93 = tpu.memref_slice %arg9[%add3A_72] : memref<1613824xf32, #tpu.memory_space<vmem_shared>> -> memref<7168xf32, #tpu.memory_space<vmem_shared>>
        tpu.wait_dma2 semaphore(%run_scoped3A : memref<!tpu.dma_semaphore, #tpu.memory_space<semaphore_mem>>) src(%arg7 : memref<7168xf32, #tpu.memory_space<vmem>>) dst(%dma_wait3A_93 : memref<7168xf32, #tpu.memory_space<vmem_shared>>)
        tpu.yield
      }) : () -> ()
      %barrier3A = arith.constant 0 : index
      tpu.barrier barrier_id(%barrier3A)
      %dma_start3A = tpu.memref_slice %arg2[%mul3A_0] : memref<9633792xi32, #tpu.memory_space<hbm>> -> memref<7168xi32, #tpu.memory_space<hbm>>
      %dma_start3A_73 = tpu.memref_slice %arg2[%mul3A_0] : memref<9633792xi32, #tpu.memory_space<hbm>> -> memref<7168xi32, #tpu.memory_space<hbm>>
      tpu.enqueue_dma source(%dma_start3A_73 : memref<7168xi32, #tpu.memory_space<hbm>>) target(%arg5 : memref<7168xi32, #tpu.memory_space<vmem>>) target_semaphore(%arg10 : memref<!tpu.dma_semaphore, #tpu.memory_space<semaphore_mem>>)
      %dma_start3A_74 = tpu.memref_slice %arg3[%mul3A_0] : memref<9633792xf32, #tpu.memory_space<hbm>> -> memref<7168xf32, #tpu.memory_space<hbm>>
      %dma_start3A_75 = tpu.memref_slice %arg3[%mul3A_0] : memref<9633792xf32, #tpu.memory_space<hbm>> -> memref<7168xf32, #tpu.memory_space<hbm>>
      tpu.enqueue_dma source(%dma_start3A_75 : memref<7168xf32, #tpu.memory_space<hbm>>) target(%arg7 : memref<7168xf32, #tpu.memory_space<vmem>>) target_semaphore(%arg10 : memref<!tpu.dma_semaphore, #tpu.memory_space<semaphore_mem>>)
      %scan3A_76 = arith.constant 0 : i32
      %scan3A_77 = arith.constant 0 : i32
      %scan3A_78 = arith.constant 42 : i32
      %scan3A_79 = arith.addi %scan3A_77, %scan3A_78 : i32
      %scan3A_80 = arith.constant 1 : i32
      scf.for %scan3A_90 = %scan3A_77 to %scan3A_79 step %scan3A_80  : i32 {
        %mul3A_91 = arith.constant 2 : i32
        %mul3A_92 = arith.muli %scan3A_90, %mul3A_91 : i32
        %add3A_93 = arith.constant 0 : i32
        %add3A_94 = arith.addi %mul3A_92, %add3A_93 : i32
        %dma_wait3A_95 = tpu.memref_slice %arg2[%mul3A_0] : memref<9633792xi32, #tpu.memory_space<hbm>> -> memref<7168xi32, #tpu.memory_space<hbm>>
        %dma_wait3A_96 = tpu.memref_slice %arg2[%mul3A_0] : memref<9633792xi32, #tpu.memory_space<hbm>> -> memref<7168xi32, #tpu.memory_space<hbm>>
        tpu.wait_dma2 semaphore(%arg10 : memref<!tpu.dma_semaphore, #tpu.memory_space<semaphore_mem>>) src(%dma_wait3A_96 : memref<7168xi32, #tpu.memory_space<hbm>>) dst(%arg5 : memref<7168xi32, #tpu.memory_space<vmem>>)
        %dma_wait3A_97 = tpu.memref_slice %arg3[%mul3A_0] : memref<9633792xf32, #tpu.memory_space<hbm>> -> memref<7168xf32, #tpu.memory_space<hbm>>
        %dma_wait3A_98 = tpu.memref_slice %arg3[%mul3A_0] : memref<9633792xf32, #tpu.memory_space<hbm>> -> memref<7168xf32, #tpu.memory_space<hbm>>
        tpu.wait_dma2 semaphore(%arg10 : memref<!tpu.dma_semaphore, #tpu.memory_space<semaphore_mem>>) src(%dma_wait3A_98 : memref<7168xf32, #tpu.memory_space<hbm>>) dst(%arg7 : memref<7168xf32, #tpu.memory_space<vmem>>)
        %scan3A_99 = arith.constant 0 : i32
        %scan3A_100 = arith.constant 0 : i32
        %scan3A_101 = arith.constant 28 : i32
        %scan3A_102 = arith.addi %scan3A_100, %scan3A_101 : i32
        %scan3A_103 = arith.constant 1 : i32
        scf.for %scan3A_143 = %scan3A_100 to %scan3A_102 step %scan3A_103  : i32 {
          %mul3A_144 = arith.constant 256 : i32
          %mul3A_145 = arith.muli %scan3A_143, %mul3A_144 : i32
          %add3A_146 = arith.constant 0 : i32
          %add3A_147 = arith.addi %mul3A_145, %add3A_146 : i32
          %get3A = arith.index_cast %add3A_147 : i32 to index
          %get3A_148 = tpu.vector_load %arg5[%get3A] {strides = array<i32>} : memref<7168xi32, #tpu.memory_space<vmem>>, vector<16xi32>,
          %get3A_149 = vector.shape_cast %get3A_148 : vector<16xi32> to vector<16xi32>
          %sub3A = vector.broadcast %mul3A_10 : i32 to vector<16xi32>
          %sub3A_150 = arith.subi %get3A_149, %sub3A : vector<16xi32>
          %bitcast3A = vector.bitcast %sub3A_150 : vector<16xi32> to vector<16xi32>
          %lt3A_151 = arith.constant 1605632 : i32
          %lt3A_152 = vector.broadcast %lt3A_151 : i32 to vector<16xi32>
          %lt3A_153 = arith.cmpi ult, %bitcast3A, %lt3A_152 : vector<16xi32>
          %and3A = arith.constant 8191 : i32
          %and3A_154 = vector.broadcast %and3A : i32 to vector<16xi32>
          %and3A_155 = arith.andi %sub3A_150, %and3A_154 : vector<16xi32>
          %add3A_156 = arith.constant 1605632 : i32
          %add3A_157 = vector.broadcast %add3A_156 : i32 to vector<16xi32>
          %add3A_158 = arith.addi %and3A_155, %add3A_157 : vector<16xi32>
          %select_n3A = arith.select %lt3A_153, %sub3A_150, %add3A_158 : vector<16xi1>, vector<16xi32>
          %swap3A = arith.index_cast %add3A_147 : i32 to index
          %swap3A_159 = tpu.vector_load %arg5[%swap3A] {strides = array<i32>} : memref<7168xi32, #tpu.memory_space<vmem>>, vector<16xi32>,
          %swap3A_160 = vector.shape_cast %swap3A_159 : vector<16xi32> to vector<16xi32>
          %swap3A_161 = vector.shape_cast %select_n3A : vector<16xi32> to vector<16xi32>
          tpu.vector_store %arg5[%swap3A], %swap3A_161 {strides = array<i32>} : memref<7168xi32, #tpu.memory_space<vmem>>, vector<16xi32>,
          %mul3A_162 = arith.constant 256 : i32
          %mul3A_163 = arith.muli %scan3A_143, %mul3A_162 : i32
          %add3A_164 = arith.constant 16 : i32
          %add3A_165 = arith.addi %mul3A_163, %add3A_164 : i32
          %get3A_166 = arith.index_cast %add3A_165 : i32 to index
          %get3A_167 = tpu.vector_load %arg5[%get3A_166] {strides = array<i32>} : memref<7168xi32, #tpu.memory_space<vmem>>, vector<16xi32>,
          %get3A_168 = vector.shape_cast %get3A_167 : vector<16xi32> to vector<16xi32>
          %sub3A_169 = vector.broadcast %mul3A_10 : i32 to vector<16xi32>
          %sub3A_170 = arith.subi %get3A_168, %sub3A_169 : vector<16xi32>
          %bitcast3A_171 = vector.bitcast %sub3A_170 : vector<16xi32> to vector<16xi32>
          %lt3A_172 = arith.constant 1605632 : i32
          %lt3A_173 = vector.broadcast %lt3A_172 : i32 to vector<16xi32>
          %lt3A_174 = arith.cmpi ult, %bitcast3A_171, %lt3A_173 : vector<16xi32>
          %and3A_175 = arith.constant 8191 : i32
          %and3A_176 = vector.broadcast %and3A_175 : i32 to vector<16xi32>
          %and3A_177 = arith.andi %sub3A_170, %and3A_176 : vector<16xi32>
          %add3A_178 = arith.constant 1605632 : i32
          %add3A_179 = vector.broadcast %add3A_178 : i32 to vector<16xi32>
          %add3A_180 = arith.addi %and3A_177, %add3A_179 : vector<16xi32>
          %select_n3A_181 = arith.select %lt3A_174, %sub3A_170, %add3A_180 : vector<16xi1>, vector<16xi32>
          %swap3A_182 = arith.index_cast %add3A_165 : i32 to index
          %swap3A_183 = tpu.vector_load %arg5[%swap3A_182] {strides = array<i32>} : memref<7168xi32, #tpu.memory_space<vmem>>, vector<16xi32>,
          %swap3A_184 = vector.shape_cast %swap3A_183 : vector<16xi32> to vector<16xi32>
          %swap3A_185 = vector.shape_cast %select_n3A_181 : vector<16xi32> to vector<16xi32>
          tpu.vector_store %arg5[%swap3A_182], %swap3A_185 {strides = array<i32>} : memref<7168xi32, #tpu.memory_space<vmem>>, vector<16xi32>,
          %mul3A_186 = arith.constant 256 : i32
          %mul3A_187 = arith.muli %scan3A_143, %mul3A_186 : i32
          %add3A_188 = arith.constant 32 : i32
          %add3A_189 = arith.addi %mul3A_187, %add3A_188 : i32
          %get3A_190 = arith.index_cast %add3A_189 : i32 to index
          %get3A_191 = tpu.vector_load %arg5[%get3A_190] {strides = array<i32>} : memref<7168xi32, #tpu.memory_space<vmem>>, vector<16xi32>,
          %get3A_192 = vector.shape_cast %get3A_191 : vector<16xi32> to vector<16xi32>
          %sub3A_193 = vector.broadcast %mul3A_10 : i32 to vector<16xi32>
          %sub3A_194 = arith.subi %get3A_192, %sub3A_193 : vector<16xi32>
          %bitcast3A_195 = vector.bitcast %sub3A_194 : vector<16xi32> to vector<16xi32>
          %lt3A_196 = arith.constant 1605632 : i32
          %lt3A_197 = vector.broadcast %lt3A_196 : i32 to vector<16xi32>
          %lt3A_198 = arith.cmpi ult, %bitcast3A_195, %lt3A_197 : vector<16xi32>
          %and3A_199 = arith.constant 8191 : i32
          %and3A_200 = vector.broadcast %and3A_199 : i32 to vector<16xi32>
          %and3A_201 = arith.andi %sub3A_194, %and3A_200 : vector<16xi32>
          %add3A_202 = arith.constant 1605632 : i32
          %add3A_203 = vector.broadcast %add3A_202 : i32 to vector<16xi32>
          %add3A_204 = arith.addi %and3A_201, %add3A_203 : vector<16xi32>
          %select_n3A_205 = arith.select %lt3A_198, %sub3A_194, %add3A_204 : vector<16xi1>, vector<16xi32>
          %swap3A_206 = arith.index_cast %add3A_189 : i32 to index
          %swap3A_207 = tpu.vector_load %arg5[%swap3A_206] {strides = array<i32>} : memref<7168xi32, #tpu.memory_space<vmem>>, vector<16xi32>,
          %swap3A_208 = vector.shape_cast %swap3A_207 : vector<16xi32> to vector<16xi32>
          %swap3A_209 = vector.shape_cast %select_n3A_205 : vector<16xi32> to vector<16xi32>
          tpu.vector_store %arg5[%swap3A_206], %swap3A_209 {strides = array<i32>} : memref<7168xi32, #tpu.memory_space<vmem>>, vector<16xi32>,
          %mul3A_210 = arith.constant 256 : i32
          %mul3A_211 = arith.muli %scan3A_143, %mul3A_210 : i32
          %add3A_212 = arith.constant 48 : i32
          %add3A_213 = arith.addi %mul3A_211, %add3A_212 : i32
          %get3A_214 = arith.index_cast %add3A_213 : i32 to index
          %get3A_215 = tpu.vector_load %arg5[%get3A_214] {strides = array<i32>} : memref<7168xi32, #tpu.memory_space<vmem>>, vector<16xi32>,
          %get3A_216 = vector.shape_cast %get3A_215 : vector<16xi32> to vector<16xi32>
          %sub3A_217 = vector.broadcast %mul3A_10 : i32 to vector<16xi32>
          %sub3A_218 = arith.subi %get3A_216, %sub3A_217 : vector<16xi32>
          %bitcast3A_219 = vector.bitcast %sub3A_218 : vector<16xi32> to vector<16xi32>
          %lt3A_220 = arith.constant 1605632 : i32
          %lt3A_221 = vector.broadcast %lt3A_220 : i32 to vector<16xi32>
          %lt3A_222 = arith.cmpi ult, %bitcast3A_219, %lt3A_221 : vector<16xi32>
          %and3A_223 = arith.constant 8191 : i32
          %and3A_224 = vector.broadcast %and3A_223 : i32 to vector<16xi32>
          %and3A_225 = arith.andi %sub3A_218, %and3A_224 : vector<16xi32>
          %add3A_226 = arith.constant 1605632 : i32
          %add3A_227 = vector.broadcast %add3A_226 : i32 to vector<16xi32>
          %add3A_228 = arith.addi %and3A_225, %add3A_227 : vector<16xi32>
          %select_n3A_229 = arith.select %lt3A_222, %sub3A_218, %add3A_228 : vector<16xi1>, vector<16xi32>
          %swap3A_230 = arith.index_cast %add3A_213 : i32 to index
          %swap3A_231 = tpu.vector_load %arg5[%swap3A_230] {strides = array<i32>} : memref<7168xi32, #tpu.memory_space<vmem>>, vector<16xi32>,
          %swap3A_232 = vector.shape_cast %swap3A_231 : vector<16xi32> to vector<16xi32>
          %swap3A_233 = vector.shape_cast %select_n3A_229 : vector<16xi32> to vector<16xi32>
          tpu.vector_store %arg5[%swap3A_230], %swap3A_233 {strides = array<i32>} : memref<7168xi32, #tpu.memory_space<vmem>>, vector<16xi32>,
          %mul3A_234 = arith.constant 256 : i32
          %mul3A_235 = arith.muli %scan3A_143, %mul3A_234 : i32
          %add3A_236 = arith.constant 64 : i32
          %add3A_237 = arith.addi %mul3A_235, %add3A_236 : i32
          %get3A_238 = arith.index_cast %add3A_237 : i32 to index
          %get3A_239 = tpu.vector_load %arg5[%get3A_238] {strides = array<i32>} : memref<7168xi32, #tpu.memory_space<vmem>>, vector<16xi32>,
          %get3A_240 = vector.shape_cast %get3A_239 : vector<16xi32> to vector<16xi32>
          %sub3A_241 = vector.broadcast %mul3A_10 : i32 to vector<16xi32>
          %sub3A_242 = arith.subi %get3A_240, %sub3A_241 : vector<16xi32>
          %bitcast3A_243 = vector.bitcast %sub3A_242 : vector<16xi32> to vector<16xi32>
          %lt3A_244 = arith.constant 1605632 : i32
          %lt3A_245 = vector.broadcast %lt3A_244 : i32 to vector<16xi32>
          %lt3A_246 = arith.cmpi ult, %bitcast3A_243, %lt3A_245 : vector<16xi32>
          %and3A_247 = arith.constant 8191 : i32
          %and3A_248 = vector.broadcast %and3A_247 : i32 to vector<16xi32>
          %and3A_249 = arith.andi %sub3A_242, %and3A_248 : vector<16xi32>
          %add3A_250 = arith.constant 1605632 : i32
          %add3A_251 = vector.broadcast %add3A_250 : i32 to vector<16xi32>
          %add3A_252 = arith.addi %and3A_249, %add3A_251 : vector<16xi32>
          %select_n3A_253 = arith.select %lt3A_246, %sub3A_242, %add3A_252 : vector<16xi1>, vector<16xi32>
          %swap3A_254 = arith.index_cast %add3A_237 : i32 to index
          %swap3A_255 = tpu.vector_load %arg5[%swap3A_254] {strides = array<i32>} : memref<7168xi32, #tpu.memory_space<vmem>>, vector<16xi32>,
          %swap3A_256 = vector.shape_cast %swap3A_255 : vector<16xi32> to vector<16xi32>
          %swap3A_257 = vector.shape_cast %select_n3A_253 : vector<16xi32> to vector<16xi32>
          tpu.vector_store %arg5[%swap3A_254], %swap3A_257 {strides = array<i32>} : memref<7168xi32, #tpu.memory_space<vmem>>, vector<16xi32>,
          %mul3A_258 = arith.constant 256 : i32
          %mul3A_259 = arith.muli %scan3A_143, %mul3A_258 : i32
          %add3A_260 = arith.constant 80 : i32
          %add3A_261 = arith.addi %mul3A_259, %add3A_260 : i32
          %get3A_262 = arith.index_cast %add3A_261 : i32 to index
          %get3A_263 = tpu.vector_load %arg5[%get3A_262] {strides = array<i32>} : memref<7168xi32, #tpu.memory_space<vmem>>, vector<16xi32>,
          %get3A_264 = vector.shape_cast %get3A_263 : vector<16xi32> to vector<16xi32>
          %sub3A_265 = vector.broadcast %mul3A_10 : i32 to vector<16xi32>
          %sub3A_266 = arith.subi %get3A_264, %sub3A_265 : vector<16xi32>
          %bitcast3A_267 = vector.bitcast %sub3A_266 : vector<16xi32> to vector<16xi32>
          %lt3A_268 = arith.constant 1605632 : i32
          %lt3A_269 = vector.broadcast %lt3A_268 : i32 to vector<16xi32>
          %lt3A_270 = arith.cmpi ult, %bitcast3A_267, %lt3A_269 : vector<16xi32>
          %and3A_271 = arith.constant 8191 : i32
          %and3A_272 = vector.broadcast %and3A_271 : i32 to vector<16xi32>
          %and3A_273 = arith.andi %sub3A_266, %and3A_272 : vector<16xi32>
          %add3A_274 = arith.constant 1605632 : i32
          %add3A_275 = vector.broadcast %add3A_274 : i32 to vector<16xi32>
          %add3A_276 = arith.addi %and3A_273, %add3A_275 : vector<16xi32>
          %select_n3A_277 = arith.select %lt3A_270, %sub3A_266, %add3A_276 : vector<16xi1>, vector<16xi32>
          %swap3A_278 = arith.index_cast %add3A_261 : i32 to index
          %swap3A_279 = tpu.vector_load %arg5[%swap3A_278] {strides = array<i32>} : memref<7168xi32, #tpu.memory_space<vmem>>, vector<16xi32>,
          %swap3A_280 = vector.shape_cast %swap3A_279 : vector<16xi32> to vector<16xi32>
          %swap3A_281 = vector.shape_cast %select_n3A_277 : vector<16xi32> to vector<16xi32>
          tpu.vector_store %arg5[%swap3A_278], %swap3A_281 {strides = array<i32>} : memref<7168xi32, #tpu.memory_space<vmem>>, vector<16xi32>,
          %mul3A_282 = arith.constant 256 : i32
          %mul3A_283 = arith.muli %scan3A_143, %mul3A_282 : i32
          %add3A_284 = arith.constant 96 : i32
          %add3A_285 = arith.addi %mul3A_283, %add3A_284 : i32
          %get3A_286 = arith.index_cast %add3A_285 : i32 to index
          %get3A_287 = tpu.vector_load %arg5[%get3A_286] {strides = array<i32>} : memref<7168xi32, #tpu.memory_space<vmem>>, vector<16xi32>,
          %get3A_288 = vector.shape_cast %get3A_287 : vector<16xi32> to vector<16xi32>
          %sub3A_289 = vector.broadcast %mul3A_10 : i32 to vector<16xi32>
          %sub3A_290 = arith.subi %get3A_288, %sub3A_289 : vector<16xi32>
          %bitcast3A_291 = vector.bitcast %sub3A_290 : vector<16xi32> to vector<16xi32>
          %lt3A_292 = arith.constant 1605632 : i32
          %lt3A_293 = vector.broadcast %lt3A_292 : i32 to vector<16xi32>
          %lt3A_294 = arith.cmpi ult, %bitcast3A_291, %lt3A_293 : vector<16xi32>
          %and3A_295 = arith.constant 8191 : i32
          %and3A_296 = vector.broadcast %and3A_295 : i32 to vector<16xi32>
          %and3A_297 = arith.andi %sub3A_290, %and3A_296 : vector<16xi32>
          %add3A_298 = arith.constant 1605632 : i32
          %add3A_299 = vector.broadcast %add3A_298 : i32 to vector<16xi32>
          %add3A_300 = arith.addi %and3A_297, %add3A_299 : vector<16xi32>
          %select_n3A_301 = arith.select %lt3A_294, %sub3A_290, %add3A_300 : vector<16xi1>, vector<16xi32>
          %swap3A_302 = arith.index_cast %add3A_285 : i32 to index
          %swap3A_303 = tpu.vector_load %arg5[%swap3A_302] {strides = array<i32>} : memref<7168xi32, #tpu.memory_space<vmem>>, vector<16xi32>,
          %swap3A_304 = vector.shape_cast %swap3A_303 : vector<16xi32> to vector<16xi32>
          %swap3A_305 = vector.shape_cast %select_n3A_301 : vector<16xi32> to vector<16xi32>
          tpu.vector_store %arg5[%swap3A_302], %swap3A_305 {strides = array<i32>} : memref<7168xi32, #tpu.memory_space<vmem>>, vector<16xi32>,
          %mul3A_306 = arith.constant 256 : i32
          %mul3A_307 = arith.muli %scan3A_143, %mul3A_306 : i32
          %add3A_308 = arith.constant 112 : i32
          %add3A_309 = arith.addi %mul3A_307, %add3A_308 : i32
          %get3A_310 = arith.index_cast %add3A_309 : i32 to index
          %get3A_311 = tpu.vector_load %arg5[%get3A_310] {strides = array<i32>} : memref<7168xi32, #tpu.memory_space<vmem>>, vector<16xi32>,
          %get3A_312 = vector.shape_cast %get3A_311 : vector<16xi32> to vector<16xi32>
          %sub3A_313 = vector.broadcast %mul3A_10 : i32 to vector<16xi32>
          %sub3A_314 = arith.subi %get3A_312, %sub3A_313 : vector<16xi32>
          %bitcast3A_315 = vector.bitcast %sub3A_314 : vector<16xi32> to vector<16xi32>
          %lt3A_316 = arith.constant 1605632 : i32
          %lt3A_317 = vector.broadcast %lt3A_316 : i32 to vector<16xi32>
          %lt3A_318 = arith.cmpi ult, %bitcast3A_315, %lt3A_317 : vector<16xi32>
          %and3A_319 = arith.constant 8191 : i32
          %and3A_320 = vector.broadcast %and3A_319 : i32 to vector<16xi32>
          %and3A_321 = arith.andi %sub3A_314, %and3A_320 : vector<16xi32>
          %add3A_322 = arith.constant 1605632 : i32
          %add3A_323 = vector.broadcast %add3A_322 : i32 to vector<16xi32>
          %add3A_324 = arith.addi %and3A_321, %add3A_323 : vector<16xi32>
          %select_n3A_325 = arith.select %lt3A_318, %sub3A_314, %add3A_324 : vector<16xi1>, vector<16xi32>
          %swap3A_326 = arith.index_cast %add3A_309 : i32 to index
          %swap3A_327 = tpu.vector_load %arg5[%swap3A_326] {strides = array<i32>} : memref<7168xi32, #tpu.memory_space<vmem>>, vector<16xi32>,
          %swap3A_328 = vector.shape_cast %swap3A_327 : vector<16xi32> to vector<16xi32>
          %swap3A_329 = vector.shape_cast %select_n3A_325 : vector<16xi32> to vector<16xi32>
          tpu.vector_store %arg5[%swap3A_326], %swap3A_329 {strides = array<i32>} : memref<7168xi32, #tpu.memory_space<vmem>>, vector<16xi32>,
          %mul3A_330 = arith.constant 256 : i32
          %mul3A_331 = arith.muli %scan3A_143, %mul3A_330 : i32
          %add3A_332 = arith.constant 128 : i32
          %add3A_333 = arith.addi %mul3A_331, %add3A_332 : i32
          %get3A_334 = arith.index_cast %add3A_333 : i32 to index
          %get3A_335 = tpu.vector_load %arg5[%get3A_334] {strides = array<i32>} : memref<7168xi32, #tpu.memory_space<vmem>>, vector<16xi32>,
          %get3A_336 = vector.shape_cast %get3A_335 : vector<16xi32> to vector<16xi32>
          %sub3A_337 = vector.broadcast %mul3A_10 : i32 to vector<16xi32>
          %sub3A_338 = arith.subi %get3A_336, %sub3A_337 : vector<16xi32>
          %bitcast3A_339 = vector.bitcast %sub3A_338 : vector<16xi32> to vector<16xi32>
          %lt3A_340 = arith.constant 1605632 : i32
          %lt3A_341 = vector.broadcast %lt3A_340 : i32 to vector<16xi32>
          %lt3A_342 = arith.cmpi ult, %bitcast3A_339, %lt3A_341 : vector<16xi32>
          %and3A_343 = arith.constant 8191 : i32
          %and3A_344 = vector.broadcast %and3A_343 : i32 to vector<16xi32>
          %and3A_345 = arith.andi %sub3A_338, %and3A_344 : vector<16xi32>
          %add3A_346 = arith.constant 1605632 : i32
          %add3A_347 = vector.broadcast %add3A_346 : i32 to vector<16xi32>
          %add3A_348 = arith.addi %and3A_345, %add3A_347 : vector<16xi32>
          %select_n3A_349 = arith.select %lt3A_342, %sub3A_338, %add3A_348 : vector<16xi1>, vector<16xi32>
          %swap3A_350 = arith.index_cast %add3A_333 : i32 to index
          %swap3A_351 = tpu.vector_load %arg5[%swap3A_350] {strides = array<i32>} : memref<7168xi32, #tpu.memory_space<vmem>>, vector<16xi32>,
          %swap3A_352 = vector.shape_cast %swap3A_351 : vector<16xi32> to vector<16xi32>
          %swap3A_353 = vector.shape_cast %select_n3A_349 : vector<16xi32> to vector<16xi32>
          tpu.vector_store %arg5[%swap3A_350], %swap3A_353 {strides = array<i32>} : memref<7168xi32, #tpu.memory_space<vmem>>, vector<16xi32>,
          %mul3A_354 = arith.constant 256 : i32
          %mul3A_355 = arith.muli %scan3A_143, %mul3A_354 : i32
          %add3A_356 = arith.constant 144 : i32
          %add3A_357 = arith.addi %mul3A_355, %add3A_356 : i32
          %get3A_358 = arith.index_cast %add3A_357 : i32 to index
          %get3A_359 = tpu.vector_load %arg5[%get3A_358] {strides = array<i32>} : memref<7168xi32, #tpu.memory_space<vmem>>, vector<16xi32>,
          %get3A_360 = vector.shape_cast %get3A_359 : vector<16xi32> to vector<16xi32>
          %sub3A_361 = vector.broadcast %mul3A_10 : i32 to vector<16xi32>
          %sub3A_362 = arith.subi %get3A_360, %sub3A_361 : vector<16xi32>
          %bitcast3A_363 = vector.bitcast %sub3A_362 : vector<16xi32> to vector<16xi32>
          %lt3A_364 = arith.constant 1605632 : i32
          %lt3A_365 = vector.broadcast %lt3A_364 : i32 to vector<16xi32>
          %lt3A_366 = arith.cmpi ult, %bitcast3A_363, %lt3A_365 : vector<16xi32>
          %and3A_367 = arith.constant 8191 : i32
          %and3A_368 = vector.broadcast %and3A_367 : i32 to vector<16xi32>
          %and3A_369 = arith.andi %sub3A_362, %and3A_368 : vector<16xi32>
          %add3A_370 = arith.constant 1605632 : i32
          %add3A_371 = vector.broadcast %add3A_370 : i32 to vector<16xi32>
          %add3A_372 = arith.addi %and3A_369, %add3A_371 : vector<16xi32>
          %select_n3A_373 = arith.select %lt3A_366, %sub3A_362, %add3A_372 : vector<16xi1>, vector<16xi32>
          %swap3A_374 = arith.index_cast %add3A_357 : i32 to index
          %swap3A_375 = tpu.vector_load %arg5[%swap3A_374] {strides = array<i32>} : memref<7168xi32, #tpu.memory_space<vmem>>, vector<16xi32>,
          %swap3A_376 = vector.shape_cast %swap3A_375 : vector<16xi32> to vector<16xi32>
          %swap3A_377 = vector.shape_cast %select_n3A_373 : vector<16xi32> to vector<16xi32>
          tpu.vector_store %arg5[%swap3A_374], %swap3A_377 {strides = array<i32>} : memref<7168xi32, #tpu.memory_space<vmem>>, vector<16xi32>,
          %mul3A_378 = arith.constant 256 : i32
          %mul3A_379 = arith.muli %scan3A_143, %mul3A_378 : i32
          %add3A_380 = arith.constant 160 : i32
          %add3A_381 = arith.addi %mul3A_379, %add3A_380 : i32
          %get3A_382 = arith.index_cast %add3A_381 : i32 to index
          %get3A_383 = tpu.vector_load %arg5[%get3A_382] {strides = array<i32>} : memref<7168xi32, #tpu.memory_space<vmem>>, vector<16xi32>,
          %get3A_384 = vector.shape_cast %get3A_383 : vector<16xi32> to vector<16xi32>
          %sub3A_385 = vector.broadcast %mul3A_10 : i32 to vector<16xi32>
          %sub3A_386 = arith.subi %get3A_384, %sub3A_385 : vector<16xi32>
          %bitcast3A_387 = vector.bitcast %sub3A_386 : vector<16xi32> to vector<16xi32>
          %lt3A_388 = arith.constant 1605632 : i32
          %lt3A_389 = vector.broadcast %lt3A_388 : i32 to vector<16xi32>
          %lt3A_390 = arith.cmpi ult, %bitcast3A_387, %lt3A_389 : vector<16xi32>
          %and3A_391 = arith.constant 8191 : i32
          %and3A_392 = vector.broadcast %and3A_391 : i32 to vector<16xi32>
          %and3A_393 = arith.andi %sub3A_386, %and3A_392 : vector<16xi32>
          %add3A_394 = arith.constant 1605632 : i32
          %add3A_395 = vector.broadcast %add3A_394 : i32 to vector<16xi32>
          %add3A_396 = arith.addi %and3A_393, %add3A_395 : vector<16xi32>
          %select_n3A_397 = arith.select %lt3A_390, %sub3A_386, %add3A_396 : vector<16xi1>, vector<16xi32>
          %swap3A_398 = arith.index_cast %add3A_381 : i32 to index
          %swap3A_399 = tpu.vector_load %arg5[%swap3A_398] {strides = array<i32>} : memref<7168xi32, #tpu.memory_space<vmem>>, vector<16xi32>,
          %swap3A_400 = vector.shape_cast %swap3A_399 : vector<16xi32> to vector<16xi32>
          %swap3A_401 = vector.shape_cast %select_n3A_397 : vector<16xi32> to vector<16xi32>
          tpu.vector_store %arg5[%swap3A_398], %swap3A_401 {strides = array<i32>} : memref<7168xi32, #tpu.memory_space<vmem>>, vector<16xi32>,
          %mul3A_402 = arith.constant 256 : i32
          %mul3A_403 = arith.muli %scan3A_143, %mul3A_402 : i32
          %add3A_404 = arith.constant 176 : i32
          %add3A_405 = arith.addi %mul3A_403, %add3A_404 : i32
          %get3A_406 = arith.index_cast %add3A_405 : i32 to index
          %get3A_407 = tpu.vector_load %arg5[%get3A_406] {strides = array<i32>} : memref<7168xi32, #tpu.memory_space<vmem>>, vector<16xi32>,
          %get3A_408 = vector.shape_cast %get3A_407 : vector<16xi32> to vector<16xi32>
          %sub3A_409 = vector.broadcast %mul3A_10 : i32 to vector<16xi32>
          %sub3A_410 = arith.subi %get3A_408, %sub3A_409 : vector<16xi32>
          %bitcast3A_411 = vector.bitcast %sub3A_410 : vector<16xi32> to vector<16xi32>
          %lt3A_412 = arith.constant 1605632 : i32
          %lt3A_413 = vector.broadcast %lt3A_412 : i32 to vector<16xi32>
          %lt3A_414 = arith.cmpi ult, %bitcast3A_411, %lt3A_413 : vector<16xi32>
          %and3A_415 = arith.constant 8191 : i32
          %and3A_416 = vector.broadcast %and3A_415 : i32 to vector<16xi32>
          %and3A_417 = arith.andi %sub3A_410, %and3A_416 : vector<16xi32>
          %add3A_418 = arith.constant 1605632 : i32
          %add3A_419 = vector.broadcast %add3A_418 : i32 to vector<16xi32>
          %add3A_420 = arith.addi %and3A_417, %add3A_419 : vector<16xi32>
          %select_n3A_421 = arith.select %lt3A_414, %sub3A_410, %add3A_420 : vector<16xi1>, vector<16xi32>
          %swap3A_422 = arith.index_cast %add3A_405 : i32 to index
          %swap3A_423 = tpu.vector_load %arg5[%swap3A_422] {strides = array<i32>} : memref<7168xi32, #tpu.memory_space<vmem>>, vector<16xi32>,
          %swap3A_424 = vector.shape_cast %swap3A_423 : vector<16xi32> to vector<16xi32>
          %swap3A_425 = vector.shape_cast %select_n3A_421 : vector<16xi32> to vector<16xi32>
          tpu.vector_store %arg5[%swap3A_422], %swap3A_425 {strides = array<i32>} : memref<7168xi32, #tpu.memory_space<vmem>>, vector<16xi32>,
          %mul3A_426 = arith.constant 256 : i32
          %mul3A_427 = arith.muli %scan3A_143, %mul3A_426 : i32
          %add3A_428 = arith.constant 192 : i32
          %add3A_429 = arith.addi %mul3A_427, %add3A_428 : i32
          %get3A_430 = arith.index_cast %add3A_429 : i32 to index
          %get3A_431 = tpu.vector_load %arg5[%get3A_430] {strides = array<i32>} : memref<7168xi32, #tpu.memory_space<vmem>>, vector<16xi32>,
          %get3A_432 = vector.shape_cast %get3A_431 : vector<16xi32> to vector<16xi32>
          %sub3A_433 = vector.broadcast %mul3A_10 : i32 to vector<16xi32>
          %sub3A_434 = arith.subi %get3A_432, %sub3A_433 : vector<16xi32>
          %bitcast3A_435 = vector.bitcast %sub3A_434 : vector<16xi32> to vector<16xi32>
          %lt3A_436 = arith.constant 1605632 : i32
          %lt3A_437 = vector.broadcast %lt3A_436 : i32 to vector<16xi32>
          %lt3A_438 = arith.cmpi ult, %bitcast3A_435, %lt3A_437 : vector<16xi32>
          %and3A_439 = arith.constant 8191 : i32
          %and3A_440 = vector.broadcast %and3A_439 : i32 to vector<16xi32>
          %and3A_441 = arith.andi %sub3A_434, %and3A_440 : vector<16xi32>
          %add3A_442 = arith.constant 1605632 : i32
          %add3A_443 = vector.broadcast %add3A_442 : i32 to vector<16xi32>
          %add3A_444 = arith.addi %and3A_441, %add3A_443 : vector<16xi32>
          %select_n3A_445 = arith.select %lt3A_438, %sub3A_434, %add3A_444 : vector<16xi1>, vector<16xi32>
          %swap3A_446 = arith.index_cast %add3A_429 : i32 to index
          %swap3A_447 = tpu.vector_load %arg5[%swap3A_446] {strides = array<i32>} : memref<7168xi32, #tpu.memory_space<vmem>>, vector<16xi32>,
          %swap3A_448 = vector.shape_cast %swap3A_447 : vector<16xi32> to vector<16xi32>
          %swap3A_449 = vector.shape_cast %select_n3A_445 : vector<16xi32> to vector<16xi32>
          tpu.vector_store %arg5[%swap3A_446], %swap3A_449 {strides = array<i32>} : memref<7168xi32, #tpu.memory_space<vmem>>, vector<16xi32>,
          %mul3A_450 = arith.constant 256 : i32
          %mul3A_451 = arith.muli %scan3A_143, %mul3A_450 : i32
          %add3A_452 = arith.constant 208 : i32
          %add3A_453 = arith.addi %mul3A_451, %add3A_452 : i32
          %get3A_454 = arith.index_cast %add3A_453 : i32 to index
          %get3A_455 = tpu.vector_load %arg5[%get3A_454] {strides = array<i32>} : memref<7168xi32, #tpu.memory_space<vmem>>, vector<16xi32>,
          %get3A_456 = vector.shape_cast %get3A_455 : vector<16xi32> to vector<16xi32>
          %sub3A_457 = vector.broadcast %mul3A_10 : i32 to vector<16xi32>
          %sub3A_458 = arith.subi %get3A_456, %sub3A_457 : vector<16xi32>
          %bitcast3A_459 = vector.bitcast %sub3A_458 : vector<16xi32> to vector<16xi32>
          %lt3A_460 = arith.constant 1605632 : i32
          %lt3A_461 = vector.broadcast %lt3A_460 : i32 to vector<16xi32>
          %lt3A_462 = arith.cmpi ult, %bitcast3A_459, %lt3A_461 : vector<16xi32>
          %and3A_463 = arith.constant 8191 : i32
          %and3A_464 = vector.broadcast %and3A_463 : i32 to vector<16xi32>
          %and3A_465 = arith.andi %sub3A_458, %and3A_464 : vector<16xi32>
          %add3A_466 = arith.constant 1605632 : i32
          %add3A_467 = vector.broadcast %add3A_466 : i32 to vector<16xi32>
          %add3A_468 = arith.addi %and3A_465, %add3A_467 : vector<16xi32>
          %select_n3A_469 = arith.select %lt3A_462, %sub3A_458, %add3A_468 : vector<16xi1>, vector<16xi32>
          %swap3A_470 = arith.index_cast %add3A_453 : i32 to index
          %swap3A_471 = tpu.vector_load %arg5[%swap3A_470] {strides = array<i32>} : memref<7168xi32, #tpu.memory_space<vmem>>, vector<16xi32>,
          %swap3A_472 = vector.shape_cast %swap3A_471 : vector<16xi32> to vector<16xi32>
          %swap3A_473 = vector.shape_cast %select_n3A_469 : vector<16xi32> to vector<16xi32>
          tpu.vector_store %arg5[%swap3A_470], %swap3A_473 {strides = array<i32>} : memref<7168xi32, #tpu.memory_space<vmem>>, vector<16xi32>,
          %mul3A_474 = arith.constant 256 : i32
          %mul3A_475 = arith.muli %scan3A_143, %mul3A_474 : i32
          %add3A_476 = arith.constant 224 : i32
          %add3A_477 = arith.addi %mul3A_475, %add3A_476 : i32
          %get3A_478 = arith.index_cast %add3A_477 : i32 to index
          %get3A_479 = tpu.vector_load %arg5[%get3A_478] {strides = array<i32>} : memref<7168xi32, #tpu.memory_space<vmem>>, vector<16xi32>,
          %get3A_480 = vector.shape_cast %get3A_479 : vector<16xi32> to vector<16xi32>
          %sub3A_481 = vector.broadcast %mul3A_10 : i32 to vector<16xi32>
          %sub3A_482 = arith.subi %get3A_480, %sub3A_481 : vector<16xi32>
          %bitcast3A_483 = vector.bitcast %sub3A_482 : vector<16xi32> to vector<16xi32>
          %lt3A_484 = arith.constant 1605632 : i32
          %lt3A_485 = vector.broadcast %lt3A_484 : i32 to vector<16xi32>
          %lt3A_486 = arith.cmpi ult, %bitcast3A_483, %lt3A_485 : vector<16xi32>
          %and3A_487 = arith.constant 8191 : i32
          %and3A_488 = vector.broadcast %and3A_487 : i32 to vector<16xi32>
          %and3A_489 = arith.andi %sub3A_482, %and3A_488 : vector<16xi32>
          %add3A_490 = arith.constant 1605632 : i32
          %add3A_491 = vector.broadcast %add3A_490 : i32 to vector<16xi32>
          %add3A_492 = arith.addi %and3A_489, %add3A_491 : vector<16xi32>
          %select_n3A_493 = arith.select %lt3A_486, %sub3A_482, %add3A_492 : vector<16xi1>, vector<16xi32>
          %swap3A_494 = arith.index_cast %add3A_477 : i32 to index
          %swap3A_495 = tpu.vector_load %arg5[%swap3A_494] {strides = array<i32>} : memref<7168xi32, #tpu.memory_space<vmem>>, vector<16xi32>,
          %swap3A_496 = vector.shape_cast %swap3A_495 : vector<16xi32> to vector<16xi32>
          %swap3A_497 = vector.shape_cast %select_n3A_493 : vector<16xi32> to vector<16xi32>
          tpu.vector_store %arg5[%swap3A_494], %swap3A_497 {strides = array<i32>} : memref<7168xi32, #tpu.memory_space<vmem>>, vector<16xi32>,
          %mul3A_498 = arith.constant 256 : i32
          %mul3A_499 = arith.muli %scan3A_143, %mul3A_498 : i32
          %add3A_500 = arith.constant 240 : i32
          %add3A_501 = arith.addi %mul3A_499, %add3A_500 : i32
          %get3A_502 = arith.index_cast %add3A_501 : i32 to index
          %get3A_503 = tpu.vector_load %arg5[%get3A_502] {strides = array<i32>} : memref<7168xi32, #tpu.memory_space<vmem>>, vector<16xi32>,
          %get3A_504 = vector.shape_cast %get3A_503 : vector<16xi32> to vector<16xi32>
          %sub3A_505 = vector.broadcast %mul3A_10 : i32 to vector<16xi32>
          %sub3A_506 = arith.subi %get3A_504, %sub3A_505 : vector<16xi32>
          %bitcast3A_507 = vector.bitcast %sub3A_506 : vector<16xi32> to vector<16xi32>
          %lt3A_508 = arith.constant 1605632 : i32
          %lt3A_509 = vector.broadcast %lt3A_508 : i32 to vector<16xi32>
          %lt3A_510 = arith.cmpi ult, %bitcast3A_507, %lt3A_509 : vector<16xi32>
          %and3A_511 = arith.constant 8191 : i32
          %and3A_512 = vector.broadcast %and3A_511 : i32 to vector<16xi32>
          %and3A_513 = arith.andi %sub3A_506, %and3A_512 : vector<16xi32>
          %add3A_514 = arith.constant 1605632 : i32
          %add3A_515 = vector.broadcast %add3A_514 : i32 to vector<16xi32>
          %add3A_516 = arith.addi %and3A_513, %add3A_515 : vector<16xi32>
          %select_n3A_517 = arith.select %lt3A_510, %sub3A_506, %add3A_516 : vector<16xi1>, vector<16xi32>
          %swap3A_518 = arith.index_cast %add3A_501 : i32 to index
          %swap3A_519 = tpu.vector_load %arg5[%swap3A_518] {strides = array<i32>} : memref<7168xi32, #tpu.memory_space<vmem>>, vector<16xi32>,
          %swap3A_520 = vector.shape_cast %swap3A_519 : vector<16xi32> to vector<16xi32>
          %swap3A_521 = vector.shape_cast %select_n3A_517 : vector<16xi32> to vector<16xi32>
          tpu.vector_store %arg5[%swap3A_518], %swap3A_521 {strides = array<i32>} : memref<7168xi32, #tpu.memory_space<vmem>>, vector<16xi32>,
        }
        %scan3A_104 = arith.constant 28 : i32
        %ge3A = arith.constant 1 : i32
        %ge3A_105 = arith.cmpi sge, %add3A_94, %ge3A : i32
        %convert_element_type3A = arith.extui %ge3A_105 : i1 to i32
        %cond3A = arith.constant 0 : i32
        %cond3A_106 = arith.cmpi ne, %convert_element_type3A, %cond3A : i32
        scf.if %cond3A_106 {
          %dma_wait3A_143 = arith.constant 0 : i32
          %dma_wait3A_144 = tpu.memref_slice %arg9[%dma_wait3A_143] : memref<1613824xf32, #tpu.memory_space<vmem_shared>> -> memref<1613824xf32, #tpu.memory_space<vmem_shared>>
          tpu.wait_indirect_dma semaphore(%arg13 : memref<!tpu.dma_semaphore, #tpu.memory_space<semaphore_mem>>) src(%arg8 : memref<7168xf32, #tpu.memory_space<vmem>>) dst(%dma_wait3A_144 : memref<1613824xf32, #tpu.memory_space<vmem_shared>>)
        } else {
        }
        %dma_start3A_107 = arith.constant 0 : i32
        %dma_start3A_108 = tpu.memref_slice %arg9[%dma_start3A_107] : memref<1613824xf32, #tpu.memory_space<vmem_shared>> -> memref<1613824xf32, #tpu.memory_space<vmem_shared>>
        tpu.enqueue_indirect_dma source(%arg7 : memref<7168xf32, #tpu.memory_space<vmem>>) target(%dma_start3A_108 : memref<1613824xf32, #tpu.memory_space<vmem_shared>>) offsets(%arg5 : memref<7168xi32, #tpu.memory_space<vmem>>) semaphore(%arg12 : memref<!tpu.dma_semaphore, #tpu.memory_space<semaphore_mem>>) {add = true}
        %add3A_109 = arith.constant 1 : i32
        %add3A_110 = arith.addi %add3A_94, %add3A_109 : i32
        %lt3A = arith.constant 84 : i32
        %lt3A_111 = arith.cmpi slt, %add3A_110, %lt3A : i32
        %convert_element_type3A_112 = arith.extui %lt3A_111 : i1 to i32
        %cond3A_113 = arith.constant 0 : i32
        %cond3A_114 = arith.cmpi ne, %convert_element_type3A_112, %cond3A_113 : i32
        scf.if %cond3A_114 {
          %add3A_143 = arith.constant 1 : i32
          %add3A_144 = arith.addi %add3A_94, %add3A_143 : i32
          %mul3A_145 = arith.constant 114688 : i32
          %mul3A_146 = arith.muli %add3A_144, %mul3A_145 : i32
          %add3A_147 = arith.addi %mul3A_0, %mul3A_146 : i32
          %dma_start3A_148 = tpu.memref_slice %arg2[%add3A_147] : memref<9633792xi32, #tpu.memory_space<hbm>> -> memref<7168xi32, #tpu.memory_space<hbm>>
          %dma_start3A_149 = tpu.memref_slice %arg2[%add3A_147] : memref<9633792xi32, #tpu.memory_space<hbm>> -> memref<7168xi32, #tpu.memory_space<hbm>>
          tpu.enqueue_dma source(%dma_start3A_149 : memref<7168xi32, #tpu.memory_space<hbm>>) target(%arg6 : memref<7168xi32, #tpu.memory_space<vmem>>) target_semaphore(%arg11 : memref<!tpu.dma_semaphore, #tpu.memory_space<semaphore_mem>>)
          %dma_start3A_150 = tpu.memref_slice %arg3[%add3A_147] : memref<9633792xf32, #tpu.memory_space<hbm>> -> memref<7168xf32, #tpu.memory_space<hbm>>
          %dma_start3A_151 = tpu.memref_slice %arg3[%add3A_147] : memref<9633792xf32, #tpu.memory_space<hbm>> -> memref<7168xf32, #tpu.memory_space<hbm>>
          tpu.enqueue_dma source(%dma_start3A_151 : memref<7168xf32, #tpu.memory_space<hbm>>) target(%arg8 : memref<7168xf32, #tpu.memory_space<vmem>>) target_semaphore(%arg11 : memref<!tpu.dma_semaphore, #tpu.memory_space<semaphore_mem>>)
        } else {
        }
        %mul3A_115 = arith.constant 2 : i32
        %mul3A_116 = arith.muli %scan3A_90, %mul3A_115 : i32
        %add3A_117 = arith.constant 1 : i32
        %add3A_118 = arith.addi %mul3A_116, %add3A_117 : i32
        %dma_wait3A_119 = tpu.memref_slice %arg2[%mul3A_0] : memref<9633792xi32, #tpu.memory_space<hbm>> -> memref<7168xi32, #tpu.memory_space<hbm>>
        %dma_wait3A_120 = tpu.memref_slice %arg2[%mul3A_0] : memref<9633792xi32, #tpu.memory_space<hbm>> -> memref<7168xi32, #tpu.memory_space<hbm>>
        tpu.wait_dma2 semaphore(%arg11 : memref<!tpu.dma_semaphore, #tpu.memory_space<semaphore_mem>>) src(%dma_wait3A_120 : memref<7168xi32, #tpu.memory_space<hbm>>) dst(%arg6 : memref<7168xi32, #tpu.memory_space<vmem>>)
        %dma_wait3A_121 = tpu.memref_slice %arg3[%mul3A_0] : memref<9633792xf32, #tpu.memory_space<hbm>> -> memref<7168xf32, #tpu.memory_space<hbm>>
        %dma_wait3A_122 = tpu.memref_slice %arg3[%mul3A_0] : memref<9633792xf32, #tpu.memory_space<hbm>> -> memref<7168xf32, #tpu.memory_space<hbm>>
        tpu.wait_dma2 semaphore(%arg11 : memref<!tpu.dma_semaphore, #tpu.memory_space<semaphore_mem>>) src(%dma_wait3A_122 : memref<7168xf32, #tpu.memory_space<hbm>>) dst(%arg8 : memref<7168xf32, #tpu.memory_space<vmem>>)
        %scan3A_123 = arith.constant 0 : i32
        %scan3A_124 = arith.constant 0 : i32
        %scan3A_125 = arith.constant 28 : i32
        %scan3A_126 = arith.addi %scan3A_124, %scan3A_125 : i32
        %scan3A_127 = arith.constant 1 : i32
        scf.for %scan3A_143 = %scan3A_124 to %scan3A_126 step %scan3A_127  : i32 {
          %mul3A_144 = arith.constant 256 : i32
          %mul3A_145 = arith.muli %scan3A_143, %mul3A_144 : i32
          %add3A_146 = arith.constant 0 : i32
          %add3A_147 = arith.addi %mul3A_145, %add3A_146 : i32
          %get3A = arith.index_cast %add3A_147 : i32 to index
          %get3A_148 = tpu.vector_load %arg6[%get3A] {strides = array<i32>} : memref<7168xi32, #tpu.memory_space<vmem>>, vector<16xi32>,
          %get3A_149 = vector.shape_cast %get3A_148 : vector<16xi32> to vector<16xi32>
          %sub3A = vector.broadcast %mul3A_10 : i32 to vector<16xi32>
          %sub3A_150 = arith.subi %get3A_149, %sub3A : vector<16xi32>
          %bitcast3A = vector.bitcast %sub3A_150 : vector<16xi32> to vector<16xi32>
          %lt3A_151 = arith.constant 1605632 : i32
          %lt3A_152 = vector.broadcast %lt3A_151 : i32 to vector<16xi32>
          %lt3A_153 = arith.cmpi ult, %bitcast3A, %lt3A_152 : vector<16xi32>
          %and3A = arith.constant 8191 : i32
          %and3A_154 = vector.broadcast %and3A : i32 to vector<16xi32>
          %and3A_155 = arith.andi %sub3A_150, %and3A_154 : vector<16xi32>
          %add3A_156 = arith.constant 1605632 : i32
          %add3A_157 = vector.broadcast %add3A_156 : i32 to vector<16xi32>
          %add3A_158 = arith.addi %and3A_155, %add3A_157 : vector<16xi32>
          %select_n3A = arith.select %lt3A_153, %sub3A_150, %add3A_158 : vector<16xi1>, vector<16xi32>
          %swap3A = arith.index_cast %add3A_147 : i32 to index
          %swap3A_159 = tpu.vector_load %arg6[%swap3A] {strides = array<i32>} : memref<7168xi32, #tpu.memory_space<vmem>>, vector<16xi32>,
          %swap3A_160 = vector.shape_cast %swap3A_159 : vector<16xi32> to vector<16xi32>
          %swap3A_161 = vector.shape_cast %select_n3A : vector<16xi32> to vector<16xi32>
          tpu.vector_store %arg6[%swap3A], %swap3A_161 {strides = array<i32>} : memref<7168xi32, #tpu.memory_space<vmem>>, vector<16xi32>,
          %mul3A_162 = arith.constant 256 : i32
          %mul3A_163 = arith.muli %scan3A_143, %mul3A_162 : i32
          %add3A_164 = arith.constant 16 : i32
          %add3A_165 = arith.addi %mul3A_163, %add3A_164 : i32
          %get3A_166 = arith.index_cast %add3A_165 : i32 to index
          %get3A_167 = tpu.vector_load %arg6[%get3A_166] {strides = array<i32>} : memref<7168xi32, #tpu.memory_space<vmem>>, vector<16xi32>,
          %get3A_168 = vector.shape_cast %get3A_167 : vector<16xi32> to vector<16xi32>
          %sub3A_169 = vector.broadcast %mul3A_10 : i32 to vector<16xi32>
          %sub3A_170 = arith.subi %get3A_168, %sub3A_169 : vector<16xi32>
          %bitcast3A_171 = vector.bitcast %sub3A_170 : vector<16xi32> to vector<16xi32>
          %lt3A_172 = arith.constant 1605632 : i32
          %lt3A_173 = vector.broadcast %lt3A_172 : i32 to vector<16xi32>
          %lt3A_174 = arith.cmpi ult, %bitcast3A_171, %lt3A_173 : vector<16xi32>
          %and3A_175 = arith.constant 8191 : i32
          %and3A_176 = vector.broadcast %and3A_175 : i32 to vector<16xi32>
          %and3A_177 = arith.andi %sub3A_170, %and3A_176 : vector<16xi32>
          %add3A_178 = arith.constant 1605632 : i32
          %add3A_179 = vector.broadcast %add3A_178 : i32 to vector<16xi32>
          %add3A_180 = arith.addi %and3A_177, %add3A_179 : vector<16xi32>
          %select_n3A_181 = arith.select %lt3A_174, %sub3A_170, %add3A_180 : vector<16xi1>, vector<16xi32>
          %swap3A_182 = arith.index_cast %add3A_165 : i32 to index
          %swap3A_183 = tpu.vector_load %arg6[%swap3A_182] {strides = array<i32>} : memref<7168xi32, #tpu.memory_space<vmem>>, vector<16xi32>,
          %swap3A_184 = vector.shape_cast %swap3A_183 : vector<16xi32> to vector<16xi32>
          %swap3A_185 = vector.shape_cast %select_n3A_181 : vector<16xi32> to vector<16xi32>
          tpu.vector_store %arg6[%swap3A_182], %swap3A_185 {strides = array<i32>} : memref<7168xi32, #tpu.memory_space<vmem>>, vector<16xi32>,
          %mul3A_186 = arith.constant 256 : i32
          %mul3A_187 = arith.muli %scan3A_143, %mul3A_186 : i32
          %add3A_188 = arith.constant 32 : i32
          %add3A_189 = arith.addi %mul3A_187, %add3A_188 : i32
          %get3A_190 = arith.index_cast %add3A_189 : i32 to index
          %get3A_191 = tpu.vector_load %arg6[%get3A_190] {strides = array<i32>} : memref<7168xi32, #tpu.memory_space<vmem>>, vector<16xi32>,
          %get3A_192 = vector.shape_cast %get3A_191 : vector<16xi32> to vector<16xi32>
          %sub3A_193 = vector.broadcast %mul3A_10 : i32 to vector<16xi32>
          %sub3A_194 = arith.subi %get3A_192, %sub3A_193 : vector<16xi32>
          %bitcast3A_195 = vector.bitcast %sub3A_194 : vector<16xi32> to vector<16xi32>
          %lt3A_196 = arith.constant 1605632 : i32
          %lt3A_197 = vector.broadcast %lt3A_196 : i32 to vector<16xi32>
          %lt3A_198 = arith.cmpi ult, %bitcast3A_195, %lt3A_197 : vector<16xi32>
          %and3A_199 = arith.constant 8191 : i32
          %and3A_200 = vector.broadcast %and3A_199 : i32 to vector<16xi32>
          %and3A_201 = arith.andi %sub3A_194, %and3A_200 : vector<16xi32>
          %add3A_202 = arith.constant 1605632 : i32
          %add3A_203 = vector.broadcast %add3A_202 : i32 to vector<16xi32>
          %add3A_204 = arith.addi %and3A_201, %add3A_203 : vector<16xi32>
          %select_n3A_205 = arith.select %lt3A_198, %sub3A_194, %add3A_204 : vector<16xi1>, vector<16xi32>
          %swap3A_206 = arith.index_cast %add3A_189 : i32 to index
          %swap3A_207 = tpu.vector_load %arg6[%swap3A_206] {strides = array<i32>} : memref<7168xi32, #tpu.memory_space<vmem>>, vector<16xi32>,
          %swap3A_208 = vector.shape_cast %swap3A_207 : vector<16xi32> to vector<16xi32>
          %swap3A_209 = vector.shape_cast %select_n3A_205 : vector<16xi32> to vector<16xi32>
          tpu.vector_store %arg6[%swap3A_206], %swap3A_209 {strides = array<i32>} : memref<7168xi32, #tpu.memory_space<vmem>>, vector<16xi32>,
          %mul3A_210 = arith.constant 256 : i32
          %mul3A_211 = arith.muli %scan3A_143, %mul3A_210 : i32
          %add3A_212 = arith.constant 48 : i32
          %add3A_213 = arith.addi %mul3A_211, %add3A_212 : i32
          %get3A_214 = arith.index_cast %add3A_213 : i32 to index
          %get3A_215 = tpu.vector_load %arg6[%get3A_214] {strides = array<i32>} : memref<7168xi32, #tpu.memory_space<vmem>>, vector<16xi32>,
          %get3A_216 = vector.shape_cast %get3A_215 : vector<16xi32> to vector<16xi32>
          %sub3A_217 = vector.broadcast %mul3A_10 : i32 to vector<16xi32>
          %sub3A_218 = arith.subi %get3A_216, %sub3A_217 : vector<16xi32>
          %bitcast3A_219 = vector.bitcast %sub3A_218 : vector<16xi32> to vector<16xi32>
          %lt3A_220 = arith.constant 1605632 : i32
          %lt3A_221 = vector.broadcast %lt3A_220 : i32 to vector<16xi32>
          %lt3A_222 = arith.cmpi ult, %bitcast3A_219, %lt3A_221 : vector<16xi32>
          %and3A_223 = arith.constant 8191 : i32
          %and3A_224 = vector.broadcast %and3A_223 : i32 to vector<16xi32>
          %and3A_225 = arith.andi %sub3A_218, %and3A_224 : vector<16xi32>
          %add3A_226 = arith.constant 1605632 : i32
          %add3A_227 = vector.broadcast %add3A_226 : i32 to vector<16xi32>
          %add3A_228 = arith.addi %and3A_225, %add3A_227 : vector<16xi32>
          %select_n3A_229 = arith.select %lt3A_222, %sub3A_218, %add3A_228 : vector<16xi1>, vector<16xi32>
          %swap3A_230 = arith.index_cast %add3A_213 : i32 to index
          %swap3A_231 = tpu.vector_load %arg6[%swap3A_230] {strides = array<i32>} : memref<7168xi32, #tpu.memory_space<vmem>>, vector<16xi32>,
          %swap3A_232 = vector.shape_cast %swap3A_231 : vector<16xi32> to vector<16xi32>
          %swap3A_233 = vector.shape_cast %select_n3A_229 : vector<16xi32> to vector<16xi32>
          tpu.vector_store %arg6[%swap3A_230], %swap3A_233 {strides = array<i32>} : memref<7168xi32, #tpu.memory_space<vmem>>, vector<16xi32>,
          %mul3A_234 = arith.constant 256 : i32
          %mul3A_235 = arith.muli %scan3A_143, %mul3A_234 : i32
          %add3A_236 = arith.constant 64 : i32
          %add3A_237 = arith.addi %mul3A_235, %add3A_236 : i32
          %get3A_238 = arith.index_cast %add3A_237 : i32 to index
          %get3A_239 = tpu.vector_load %arg6[%get3A_238] {strides = array<i32>} : memref<7168xi32, #tpu.memory_space<vmem>>, vector<16xi32>,
          %get3A_240 = vector.shape_cast %get3A_239 : vector<16xi32> to vector<16xi32>
          %sub3A_241 = vector.broadcast %mul3A_10 : i32 to vector<16xi32>
          %sub3A_242 = arith.subi %get3A_240, %sub3A_241 : vector<16xi32>
          %bitcast3A_243 = vector.bitcast %sub3A_242 : vector<16xi32> to vector<16xi32>
          %lt3A_244 = arith.constant 1605632 : i32
          %lt3A_245 = vector.broadcast %lt3A_244 : i32 to vector<16xi32>
          %lt3A_246 = arith.cmpi ult, %bitcast3A_243, %lt3A_245 : vector<16xi32>
          %and3A_247 = arith.constant 8191 : i32
          %and3A_248 = vector.broadcast %and3A_247 : i32 to vector<16xi32>
          %and3A_249 = arith.andi %sub3A_242, %and3A_248 : vector<16xi32>
          %add3A_250 = arith.constant 1605632 : i32
          %add3A_251 = vector.broadcast %add3A_250 : i32 to vector<16xi32>
          %add3A_252 = arith.addi %and3A_249, %add3A_251 : vector<16xi32>
          %select_n3A_253 = arith.select %lt3A_246, %sub3A_242, %add3A_252 : vector<16xi1>, vector<16xi32>
          %swap3A_254 = arith.index_cast %add3A_237 : i32 to index
          %swap3A_255 = tpu.vector_load %arg6[%swap3A_254] {strides = array<i32>} : memref<7168xi32, #tpu.memory_space<vmem>>, vector<16xi32>,
          %swap3A_256 = vector.shape_cast %swap3A_255 : vector<16xi32> to vector<16xi32>
          %swap3A_257 = vector.shape_cast %select_n3A_253 : vector<16xi32> to vector<16xi32>
          tpu.vector_store %arg6[%swap3A_254], %swap3A_257 {strides = array<i32>} : memref<7168xi32, #tpu.memory_space<vmem>>, vector<16xi32>,
          %mul3A_258 = arith.constant 256 : i32
          %mul3A_259 = arith.muli %scan3A_143, %mul3A_258 : i32
          %add3A_260 = arith.constant 80 : i32
          %add3A_261 = arith.addi %mul3A_259, %add3A_260 : i32
          %get3A_262 = arith.index_cast %add3A_261 : i32 to index
          %get3A_263 = tpu.vector_load %arg6[%get3A_262] {strides = array<i32>} : memref<7168xi32, #tpu.memory_space<vmem>>, vector<16xi32>,
          %get3A_264 = vector.shape_cast %get3A_263 : vector<16xi32> to vector<16xi32>
          %sub3A_265 = vector.broadcast %mul3A_10 : i32 to vector<16xi32>
          %sub3A_266 = arith.subi %get3A_264, %sub3A_265 : vector<16xi32>
          %bitcast3A_267 = vector.bitcast %sub3A_266 : vector<16xi32> to vector<16xi32>
          %lt3A_268 = arith.constant 1605632 : i32
          %lt3A_269 = vector.broadcast %lt3A_268 : i32 to vector<16xi32>
          %lt3A_270 = arith.cmpi ult, %bitcast3A_267, %lt3A_269 : vector<16xi32>
          %and3A_271 = arith.constant 8191 : i32
          %and3A_272 = vector.broadcast %and3A_271 : i32 to vector<16xi32>
          %and3A_273 = arith.andi %sub3A_266, %and3A_272 : vector<16xi32>
          %add3A_274 = arith.constant 1605632 : i32
          %add3A_275 = vector.broadcast %add3A_274 : i32 to vector<16xi32>
          %add3A_276 = arith.addi %and3A_273, %add3A_275 : vector<16xi32>
          %select_n3A_277 = arith.select %lt3A_270, %sub3A_266, %add3A_276 : vector<16xi1>, vector<16xi32>
          %swap3A_278 = arith.index_cast %add3A_261 : i32 to index
          %swap3A_279 = tpu.vector_load %arg6[%swap3A_278] {strides = array<i32>} : memref<7168xi32, #tpu.memory_space<vmem>>, vector<16xi32>,
          %swap3A_280 = vector.shape_cast %swap3A_279 : vector<16xi32> to vector<16xi32>
          %swap3A_281 = vector.shape_cast %select_n3A_277 : vector<16xi32> to vector<16xi32>
          tpu.vector_store %arg6[%swap3A_278], %swap3A_281 {strides = array<i32>} : memref<7168xi32, #tpu.memory_space<vmem>>, vector<16xi32>,
          %mul3A_282 = arith.constant 256 : i32
          %mul3A_283 = arith.muli %scan3A_143, %mul3A_282 : i32
          %add3A_284 = arith.constant 96 : i32
          %add3A_285 = arith.addi %mul3A_283, %add3A_284 : i32
          %get3A_286 = arith.index_cast %add3A_285 : i32 to index
          %get3A_287 = tpu.vector_load %arg6[%get3A_286] {strides = array<i32>} : memref<7168xi32, #tpu.memory_space<vmem>>, vector<16xi32>,
          %get3A_288 = vector.shape_cast %get3A_287 : vector<16xi32> to vector<16xi32>
          %sub3A_289 = vector.broadcast %mul3A_10 : i32 to vector<16xi32>
          %sub3A_290 = arith.subi %get3A_288, %sub3A_289 : vector<16xi32>
          %bitcast3A_291 = vector.bitcast %sub3A_290 : vector<16xi32> to vector<16xi32>
          %lt3A_292 = arith.constant 1605632 : i32
          %lt3A_293 = vector.broadcast %lt3A_292 : i32 to vector<16xi32>
          %lt3A_294 = arith.cmpi ult, %bitcast3A_291, %lt3A_293 : vector<16xi32>
          %and3A_295 = arith.constant 8191 : i32
          %and3A_296 = vector.broadcast %and3A_295 : i32 to vector<16xi32>
          %and3A_297 = arith.andi %sub3A_290, %and3A_296 : vector<16xi32>
          %add3A_298 = arith.constant 1605632 : i32
          %add3A_299 = vector.broadcast %add3A_298 : i32 to vector<16xi32>
          %add3A_300 = arith.addi %and3A_297, %add3A_299 : vector<16xi32>
          %select_n3A_301 = arith.select %lt3A_294, %sub3A_290, %add3A_300 : vector<16xi1>, vector<16xi32>
          %swap3A_302 = arith.index_cast %add3A_285 : i32 to index
          %swap3A_303 = tpu.vector_load %arg6[%swap3A_302] {strides = array<i32>} : memref<7168xi32, #tpu.memory_space<vmem>>, vector<16xi32>,
          %swap3A_304 = vector.shape_cast %swap3A_303 : vector<16xi32> to vector<16xi32>
          %swap3A_305 = vector.shape_cast %select_n3A_301 : vector<16xi32> to vector<16xi32>
          tpu.vector_store %arg6[%swap3A_302], %swap3A_305 {strides = array<i32>} : memref<7168xi32, #tpu.memory_space<vmem>>, vector<16xi32>,
          %mul3A_306 = arith.constant 256 : i32
          %mul3A_307 = arith.muli %scan3A_143, %mul3A_306 : i32
          %add3A_308 = arith.constant 112 : i32
          %add3A_309 = arith.addi %mul3A_307, %add3A_308 : i32
          %get3A_310 = arith.index_cast %add3A_309 : i32 to index
          %get3A_311 = tpu.vector_load %arg6[%get3A_310] {strides = array<i32>} : memref<7168xi32, #tpu.memory_space<vmem>>, vector<16xi32>,
          %get3A_312 = vector.shape_cast %get3A_311 : vector<16xi32> to vector<16xi32>
          %sub3A_313 = vector.broadcast %mul3A_10 : i32 to vector<16xi32>
          %sub3A_314 = arith.subi %get3A_312, %sub3A_313 : vector<16xi32>
          %bitcast3A_315 = vector.bitcast %sub3A_314 : vector<16xi32> to vector<16xi32>
          %lt3A_316 = arith.constant 1605632 : i32
          %lt3A_317 = vector.broadcast %lt3A_316 : i32 to vector<16xi32>
          %lt3A_318 = arith.cmpi ult, %bitcast3A_315, %lt3A_317 : vector<16xi32>
          %and3A_319 = arith.constant 8191 : i32
          %and3A_320 = vector.broadcast %and3A_319 : i32 to vector<16xi32>
          %and3A_321 = arith.andi %sub3A_314, %and3A_320 : vector<16xi32>
          %add3A_322 = arith.constant 1605632 : i32
          %add3A_323 = vector.broadcast %add3A_322 : i32 to vector<16xi32>
          %add3A_324 = arith.addi %and3A_321, %add3A_323 : vector<16xi32>
          %select_n3A_325 = arith.select %lt3A_318, %sub3A_314, %add3A_324 : vector<16xi1>, vector<16xi32>
          %swap3A_326 = arith.index_cast %add3A_309 : i32 to index
          %swap3A_327 = tpu.vector_load %arg6[%swap3A_326] {strides = array<i32>} : memref<7168xi32, #tpu.memory_space<vmem>>, vector<16xi32>,
          %swap3A_328 = vector.shape_cast %swap3A_327 : vector<16xi32> to vector<16xi32>
          %swap3A_329 = vector.shape_cast %select_n3A_325 : vector<16xi32> to vector<16xi32>
          tpu.vector_store %arg6[%swap3A_326], %swap3A_329 {strides = array<i32>} : memref<7168xi32, #tpu.memory_space<vmem>>, vector<16xi32>,
          %mul3A_330 = arith.constant 256 : i32
          %mul3A_331 = arith.muli %scan3A_143, %mul3A_330 : i32
          %add3A_332 = arith.constant 128 : i32
          %add3A_333 = arith.addi %mul3A_331, %add3A_332 : i32
          %get3A_334 = arith.index_cast %add3A_333 : i32 to index
          %get3A_335 = tpu.vector_load %arg6[%get3A_334] {strides = array<i32>} : memref<7168xi32, #tpu.memory_space<vmem>>, vector<16xi32>,
          %get3A_336 = vector.shape_cast %get3A_335 : vector<16xi32> to vector<16xi32>
          %sub3A_337 = vector.broadcast %mul3A_10 : i32 to vector<16xi32>
          %sub3A_338 = arith.subi %get3A_336, %sub3A_337 : vector<16xi32>
          %bitcast3A_339 = vector.bitcast %sub3A_338 : vector<16xi32> to vector<16xi32>
          %lt3A_340 = arith.constant 1605632 : i32
          %lt3A_341 = vector.broadcast %lt3A_340 : i32 to vector<16xi32>
          %lt3A_342 = arith.cmpi ult, %bitcast3A_339, %lt3A_341 : vector<16xi32>
          %and3A_343 = arith.constant 8191 : i32
          %and3A_344 = vector.broadcast %and3A_343 : i32 to vector<16xi32>
          %and3A_345 = arith.andi %sub3A_338, %and3A_344 : vector<16xi32>
          %add3A_346 = arith.constant 1605632 : i32
          %add3A_347 = vector.broadcast %add3A_346 : i32 to vector<16xi32>
          %add3A_348 = arith.addi %and3A_345, %add3A_347 : vector<16xi32>
          %select_n3A_349 = arith.select %lt3A_342, %sub3A_338, %add3A_348 : vector<16xi1>, vector<16xi32>
          %swap3A_350 = arith.index_cast %add3A_333 : i32 to index
          %swap3A_351 = tpu.vector_load %arg6[%swap3A_350] {strides = array<i32>} : memref<7168xi32, #tpu.memory_space<vmem>>, vector<16xi32>,
          %swap3A_352 = vector.shape_cast %swap3A_351 : vector<16xi32> to vector<16xi32>
          %swap3A_353 = vector.shape_cast %select_n3A_349 : vector<16xi32> to vector<16xi32>
          tpu.vector_store %arg6[%swap3A_350], %swap3A_353 {strides = array<i32>} : memref<7168xi32, #tpu.memory_space<vmem>>, vector<16xi32>,
          %mul3A_354 = arith.constant 256 : i32
          %mul3A_355 = arith.muli %scan3A_143, %mul3A_354 : i32
          %add3A_356 = arith.constant 144 : i32
          %add3A_357 = arith.addi %mul3A_355, %add3A_356 : i32
          %get3A_358 = arith.index_cast %add3A_357 : i32 to index
          %get3A_359 = tpu.vector_load %arg6[%get3A_358] {strides = array<i32>} : memref<7168xi32, #tpu.memory_space<vmem>>, vector<16xi32>,
          %get3A_360 = vector.shape_cast %get3A_359 : vector<16xi32> to vector<16xi32>
          %sub3A_361 = vector.broadcast %mul3A_10 : i32 to vector<16xi32>
          %sub3A_362 = arith.subi %get3A_360, %sub3A_361 : vector<16xi32>
          %bitcast3A_363 = vector.bitcast %sub3A_362 : vector<16xi32> to vector<16xi32>
          %lt3A_364 = arith.constant 1605632 : i32
          %lt3A_365 = vector.broadcast %lt3A_364 : i32 to vector<16xi32>
          %lt3A_366 = arith.cmpi ult, %bitcast3A_363, %lt3A_365 : vector<16xi32>
          %and3A_367 = arith.constant 8191 : i32
          %and3A_368 = vector.broadcast %and3A_367 : i32 to vector<16xi32>
          %and3A_369 = arith.andi %sub3A_362, %and3A_368 : vector<16xi32>
          %add3A_370 = arith.constant 1605632 : i32
          %add3A_371 = vector.broadcast %add3A_370 : i32 to vector<16xi32>
          %add3A_372 = arith.addi %and3A_369, %add3A_371 : vector<16xi32>
          %select_n3A_373 = arith.select %lt3A_366, %sub3A_362, %add3A_372 : vector<16xi1>, vector<16xi32>
          %swap3A_374 = arith.index_cast %add3A_357 : i32 to index
          %swap3A_375 = tpu.vector_load %arg6[%swap3A_374] {strides = array<i32>} : memref<7168xi32, #tpu.memory_space<vmem>>, vector<16xi32>,
          %swap3A_376 = vector.shape_cast %swap3A_375 : vector<16xi32> to vector<16xi32>
          %swap3A_377 = vector.shape_cast %select_n3A_373 : vector<16xi32> to vector<16xi32>
          tpu.vector_store %arg6[%swap3A_374], %swap3A_377 {strides = array<i32>} : memref<7168xi32, #tpu.memory_space<vmem>>, vector<16xi32>,
          %mul3A_378 = arith.constant 256 : i32
          %mul3A_379 = arith.muli %scan3A_143, %mul3A_378 : i32
          %add3A_380 = arith.constant 160 : i32
          %add3A_381 = arith.addi %mul3A_379, %add3A_380 : i32
          %get3A_382 = arith.index_cast %add3A_381 : i32 to index
          %get3A_383 = tpu.vector_load %arg6[%get3A_382] {strides = array<i32>} : memref<7168xi32, #tpu.memory_space<vmem>>, vector<16xi32>,
          %get3A_384 = vector.shape_cast %get3A_383 : vector<16xi32> to vector<16xi32>
          %sub3A_385 = vector.broadcast %mul3A_10 : i32 to vector<16xi32>
          %sub3A_386 = arith.subi %get3A_384, %sub3A_385 : vector<16xi32>
          %bitcast3A_387 = vector.bitcast %sub3A_386 : vector<16xi32> to vector<16xi32>
          %lt3A_388 = arith.constant 1605632 : i32
          %lt3A_389 = vector.broadcast %lt3A_388 : i32 to vector<16xi32>
          %lt3A_390 = arith.cmpi ult, %bitcast3A_387, %lt3A_389 : vector<16xi32>
          %and3A_391 = arith.constant 8191 : i32
          %and3A_392 = vector.broadcast %and3A_391 : i32 to vector<16xi32>
          %and3A_393 = arith.andi %sub3A_386, %and3A_392 : vector<16xi32>
          %add3A_394 = arith.constant 1605632 : i32
          %add3A_395 = vector.broadcast %add3A_394 : i32 to vector<16xi32>
          %add3A_396 = arith.addi %and3A_393, %add3A_395 : vector<16xi32>
          %select_n3A_397 = arith.select %lt3A_390, %sub3A_386, %add3A_396 : vector<16xi1>, vector<16xi32>
          %swap3A_398 = arith.index_cast %add3A_381 : i32 to index
          %swap3A_399 = tpu.vector_load %arg6[%swap3A_398] {strides = array<i32>} : memref<7168xi32, #tpu.memory_space<vmem>>, vector<16xi32>,
          %swap3A_400 = vector.shape_cast %swap3A_399 : vector<16xi32> to vector<16xi32>
          %swap3A_401 = vector.shape_cast %select_n3A_397 : vector<16xi32> to vector<16xi32>
          tpu.vector_store %arg6[%swap3A_398], %swap3A_401 {strides = array<i32>} : memref<7168xi32, #tpu.memory_space<vmem>>, vector<16xi32>,
          %mul3A_402 = arith.constant 256 : i32
          %mul3A_403 = arith.muli %scan3A_143, %mul3A_402 : i32
          %add3A_404 = arith.constant 176 : i32
          %add3A_405 = arith.addi %mul3A_403, %add3A_404 : i32
          %get3A_406 = arith.index_cast %add3A_405 : i32 to index
          %get3A_407 = tpu.vector_load %arg6[%get3A_406] {strides = array<i32>} : memref<7168xi32, #tpu.memory_space<vmem>>, vector<16xi32>,
          %get3A_408 = vector.shape_cast %get3A_407 : vector<16xi32> to vector<16xi32>
          %sub3A_409 = vector.broadcast %mul3A_10 : i32 to vector<16xi32>
          %sub3A_410 = arith.subi %get3A_408, %sub3A_409 : vector<16xi32>
          %bitcast3A_411 = vector.bitcast %sub3A_410 : vector<16xi32> to vector<16xi32>
          %lt3A_412 = arith.constant 1605632 : i32
          %lt3A_413 = vector.broadcast %lt3A_412 : i32 to vector<16xi32>
          %lt3A_414 = arith.cmpi ult, %bitcast3A_411, %lt3A_413 : vector<16xi32>
          %and3A_415 = arith.constant 8191 : i32
          %and3A_416 = vector.broadcast %and3A_415 : i32 to vector<16xi32>
          %and3A_417 = arith.andi %sub3A_410, %and3A_416 : vector<16xi32>
          %add3A_418 = arith.constant 1605632 : i32
          %add3A_419 = vector.broadcast %add3A_418 : i32 to vector<16xi32>
          %add3A_420 = arith.addi %and3A_417, %add3A_419 : vector<16xi32>
          %select_n3A_421 = arith.select %lt3A_414, %sub3A_410, %add3A_420 : vector<16xi1>, vector<16xi32>
          %swap3A_422 = arith.index_cast %add3A_405 : i32 to index
          %swap3A_423 = tpu.vector_load %arg6[%swap3A_422] {strides = array<i32>} : memref<7168xi32, #tpu.memory_space<vmem>>, vector<16xi32>,
          %swap3A_424 = vector.shape_cast %swap3A_423 : vector<16xi32> to vector<16xi32>
          %swap3A_425 = vector.shape_cast %select_n3A_421 : vector<16xi32> to vector<16xi32>
          tpu.vector_store %arg6[%swap3A_422], %swap3A_425 {strides = array<i32>} : memref<7168xi32, #tpu.memory_space<vmem>>, vector<16xi32>,
          %mul3A_426 = arith.constant 256 : i32
          %mul3A_427 = arith.muli %scan3A_143, %mul3A_426 : i32
          %add3A_428 = arith.constant 192 : i32
          %add3A_429 = arith.addi %mul3A_427, %add3A_428 : i32
          %get3A_430 = arith.index_cast %add3A_429 : i32 to index
          %get3A_431 = tpu.vector_load %arg6[%get3A_430] {strides = array<i32>} : memref<7168xi32, #tpu.memory_space<vmem>>, vector<16xi32>,
          %get3A_432 = vector.shape_cast %get3A_431 : vector<16xi32> to vector<16xi32>
          %sub3A_433 = vector.broadcast %mul3A_10 : i32 to vector<16xi32>
          %sub3A_434 = arith.subi %get3A_432, %sub3A_433 : vector<16xi32>
          %bitcast3A_435 = vector.bitcast %sub3A_434 : vector<16xi32> to vector<16xi32>
          %lt3A_436 = arith.constant 1605632 : i32
          %lt3A_437 = vector.broadcast %lt3A_436 : i32 to vector<16xi32>
          %lt3A_438 = arith.cmpi ult, %bitcast3A_435, %lt3A_437 : vector<16xi32>
          %and3A_439 = arith.constant 8191 : i32
          %and3A_440 = vector.broadcast %and3A_439 : i32 to vector<16xi32>
          %and3A_441 = arith.andi %sub3A_434, %and3A_440 : vector<16xi32>
          %add3A_442 = arith.constant 1605632 : i32
          %add3A_443 = vector.broadcast %add3A_442 : i32 to vector<16xi32>
          %add3A_444 = arith.addi %and3A_441, %add3A_443 : vector<16xi32>
          %select_n3A_445 = arith.select %lt3A_438, %sub3A_434, %add3A_444 : vector<16xi1>, vector<16xi32>
          %swap3A_446 = arith.index_cast %add3A_429 : i32 to index
          %swap3A_447 = tpu.vector_load %arg6[%swap3A_446] {strides = array<i32>} : memref<7168xi32, #tpu.memory_space<vmem>>, vector<16xi32>,
          %swap3A_448 = vector.shape_cast %swap3A_447 : vector<16xi32> to vector<16xi32>
          %swap3A_449 = vector.shape_cast %select_n3A_445 : vector<16xi32> to vector<16xi32>
          tpu.vector_store %arg6[%swap3A_446], %swap3A_449 {strides = array<i32>} : memref<7168xi32, #tpu.memory_space<vmem>>, vector<16xi32>,
          %mul3A_450 = arith.constant 256 : i32
          %mul3A_451 = arith.muli %scan3A_143, %mul3A_450 : i32
          %add3A_452 = arith.constant 208 : i32
          %add3A_453 = arith.addi %mul3A_451, %add3A_452 : i32
          %get3A_454 = arith.index_cast %add3A_453 : i32 to index
          %get3A_455 = tpu.vector_load %arg6[%get3A_454] {strides = array<i32>} : memref<7168xi32, #tpu.memory_space<vmem>>, vector<16xi32>,
          %get3A_456 = vector.shape_cast %get3A_455 : vector<16xi32> to vector<16xi32>
          %sub3A_457 = vector.broadcast %mul3A_10 : i32 to vector<16xi32>
          %sub3A_458 = arith.subi %get3A_456, %sub3A_457 : vector<16xi32>
          %bitcast3A_459 = vector.bitcast %sub3A_458 : vector<16xi32> to vector<16xi32>
          %lt3A_460 = arith.constant 1605632 : i32
          %lt3A_461 = vector.broadcast %lt3A_460 : i32 to vector<16xi32>
          %lt3A_462 = arith.cmpi ult, %bitcast3A_459, %lt3A_461 : vector<16xi32>
          %and3A_463 = arith.constant 8191 : i32
          %and3A_464 = vector.broadcast %and3A_463 : i32 to vector<16xi32>
          %and3A_465 = arith.andi %sub3A_458, %and3A_464 : vector<16xi32>
          %add3A_466 = arith.constant 1605632 : i32
          %add3A_467 = vector.broadcast %add3A_466 : i32 to vector<16xi32>
          %add3A_468 = arith.addi %and3A_465, %add3A_467 : vector<16xi32>
          %select_n3A_469 = arith.select %lt3A_462, %sub3A_458, %add3A_468 : vector<16xi1>, vector<16xi32>
          %swap3A_470 = arith.index_cast %add3A_453 : i32 to index
          %swap3A_471 = tpu.vector_load %arg6[%swap3A_470] {strides = array<i32>} : memref<7168xi32, #tpu.memory_space<vmem>>, vector<16xi32>,
          %swap3A_472 = vector.shape_cast %swap3A_471 : vector<16xi32> to vector<16xi32>
          %swap3A_473 = vector.shape_cast %select_n3A_469 : vector<16xi32> to vector<16xi32>
          tpu.vector_store %arg6[%swap3A_470], %swap3A_473 {strides = array<i32>} : memref<7168xi32, #tpu.memory_space<vmem>>, vector<16xi32>,
          %mul3A_474 = arith.constant 256 : i32
          %mul3A_475 = arith.muli %scan3A_143, %mul3A_474 : i32
          %add3A_476 = arith.constant 224 : i32
          %add3A_477 = arith.addi %mul3A_475, %add3A_476 : i32
          %get3A_478 = arith.index_cast %add3A_477 : i32 to index
          %get3A_479 = tpu.vector_load %arg6[%get3A_478] {strides = array<i32>} : memref<7168xi32, #tpu.memory_space<vmem>>, vector<16xi32>,
          %get3A_480 = vector.shape_cast %get3A_479 : vector<16xi32> to vector<16xi32>
          %sub3A_481 = vector.broadcast %mul3A_10 : i32 to vector<16xi32>
          %sub3A_482 = arith.subi %get3A_480, %sub3A_481 : vector<16xi32>
          %bitcast3A_483 = vector.bitcast %sub3A_482 : vector<16xi32> to vector<16xi32>
          %lt3A_484 = arith.constant 1605632 : i32
          %lt3A_485 = vector.broadcast %lt3A_484 : i32 to vector<16xi32>
          %lt3A_486 = arith.cmpi ult, %bitcast3A_483, %lt3A_485 : vector<16xi32>
          %and3A_487 = arith.constant 8191 : i32
          %and3A_488 = vector.broadcast %and3A_487 : i32 to vector<16xi32>
          %and3A_489 = arith.andi %sub3A_482, %and3A_488 : vector<16xi32>
          %add3A_490 = arith.constant 1605632 : i32
          %add3A_491 = vector.broadcast %add3A_490 : i32 to vector<16xi32>
          %add3A_492 = arith.addi %and3A_489, %add3A_491 : vector<16xi32>
          %select_n3A_493 = arith.select %lt3A_486, %sub3A_482, %add3A_492 : vector<16xi1>, vector<16xi32>
          %swap3A_494 = arith.index_cast %add3A_477 : i32 to index
          %swap3A_495 = tpu.vector_load %arg6[%swap3A_494] {strides = array<i32>} : memref<7168xi32, #tpu.memory_space<vmem>>, vector<16xi32>,
          %swap3A_496 = vector.shape_cast %swap3A_495 : vector<16xi32> to vector<16xi32>
          %swap3A_497 = vector.shape_cast %select_n3A_493 : vector<16xi32> to vector<16xi32>
          tpu.vector_store %arg6[%swap3A_494], %swap3A_497 {strides = array<i32>} : memref<7168xi32, #tpu.memory_space<vmem>>, vector<16xi32>,
          %mul3A_498 = arith.constant 256 : i32
          %mul3A_499 = arith.muli %scan3A_143, %mul3A_498 : i32
          %add3A_500 = arith.constant 240 : i32
          %add3A_501 = arith.addi %mul3A_499, %add3A_500 : i32
          %get3A_502 = arith.index_cast %add3A_501 : i32 to index
          %get3A_503 = tpu.vector_load %arg6[%get3A_502] {strides = array<i32>} : memref<7168xi32, #tpu.memory_space<vmem>>, vector<16xi32>,
          %get3A_504 = vector.shape_cast %get3A_503 : vector<16xi32> to vector<16xi32>
          %sub3A_505 = vector.broadcast %mul3A_10 : i32 to vector<16xi32>
          %sub3A_506 = arith.subi %get3A_504, %sub3A_505 : vector<16xi32>
          %bitcast3A_507 = vector.bitcast %sub3A_506 : vector<16xi32> to vector<16xi32>
          %lt3A_508 = arith.constant 1605632 : i32
          %lt3A_509 = vector.broadcast %lt3A_508 : i32 to vector<16xi32>
          %lt3A_510 = arith.cmpi ult, %bitcast3A_507, %lt3A_509 : vector<16xi32>
          %and3A_511 = arith.constant 8191 : i32
          %and3A_512 = vector.broadcast %and3A_511 : i32 to vector<16xi32>
          %and3A_513 = arith.andi %sub3A_506, %and3A_512 : vector<16xi32>
          %add3A_514 = arith.constant 1605632 : i32
          %add3A_515 = vector.broadcast %add3A_514 : i32 to vector<16xi32>
          %add3A_516 = arith.addi %and3A_513, %add3A_515 : vector<16xi32>
          %select_n3A_517 = arith.select %lt3A_510, %sub3A_506, %add3A_516 : vector<16xi1>, vector<16xi32>
          %swap3A_518 = arith.index_cast %add3A_501 : i32 to index
          %swap3A_519 = tpu.vector_load %arg6[%swap3A_518] {strides = array<i32>} : memref<7168xi32, #tpu.memory_space<vmem>>, vector<16xi32>,
          %swap3A_520 = vector.shape_cast %swap3A_519 : vector<16xi32> to vector<16xi32>
          %swap3A_521 = vector.shape_cast %select_n3A_517 : vector<16xi32> to vector<16xi32>
          tpu.vector_store %arg6[%swap3A_518], %swap3A_521 {strides = array<i32>} : memref<7168xi32, #tpu.memory_space<vmem>>, vector<16xi32>,
        }
        %scan3A_128 = arith.constant 28 : i32
        %ge3A_129 = arith.constant 1 : i32
        %ge3A_130 = arith.cmpi sge, %add3A_118, %ge3A_129 : i32
        %convert_element_type3A_131 = arith.extui %ge3A_130 : i1 to i32
        %cond3A_132 = arith.constant 0 : i32
        %cond3A_133 = arith.cmpi ne, %convert_element_type3A_131, %cond3A_132 : i32
        scf.if %cond3A_133 {
          %dma_wait3A_143 = arith.constant 0 : i32
          %dma_wait3A_144 = tpu.memref_slice %arg9[%dma_wait3A_143] : memref<1613824xf32, #tpu.memory_space<vmem_shared>> -> memref<1613824xf32, #tpu.memory_space<vmem_shared>>
          tpu.wait_indirect_dma semaphore(%arg12 : memref<!tpu.dma_semaphore, #tpu.memory_space<semaphore_mem>>) src(%arg7 : memref<7168xf32, #tpu.memory_space<vmem>>) dst(%dma_wait3A_144 : memref<1613824xf32, #tpu.memory_space<vmem_shared>>)
        } else {
        }
        %dma_start3A_134 = arith.constant 0 : i32
        %dma_start3A_135 = tpu.memref_slice %arg9[%dma_start3A_134] : memref<1613824xf32, #tpu.memory_space<vmem_shared>> -> memref<1613824xf32, #tpu.memory_space<vmem_shared>>
        tpu.enqueue_indirect_dma source(%arg8 : memref<7168xf32, #tpu.memory_space<vmem>>) target(%dma_start3A_135 : memref<1613824xf32, #tpu.memory_space<vmem_shared>>) offsets(%arg6 : memref<7168xi32, #tpu.memory_space<vmem>>) semaphore(%arg13 : memref<!tpu.dma_semaphore, #tpu.memory_space<semaphore_mem>>) {add = true}
        %add3A_136 = arith.constant 1 : i32
        %add3A_137 = arith.addi %add3A_118, %add3A_136 : i32
        %lt3A_138 = arith.constant 84 : i32
        %lt3A_139 = arith.cmpi slt, %add3A_137, %lt3A_138 : i32
        %convert_element_type3A_140 = arith.extui %lt3A_139 : i1 to i32
        %cond3A_141 = arith.constant 0 : i32
        %cond3A_142 = arith.cmpi ne, %convert_element_type3A_140, %cond3A_141 : i32
        scf.if %cond3A_142 {
          %add3A_143 = arith.constant 1 : i32
          %add3A_144 = arith.addi %add3A_118, %add3A_143 : i32
          %mul3A_145 = arith.constant 114688 : i32
          %mul3A_146 = arith.muli %add3A_144, %mul3A_145 : i32
          %add3A_147 = arith.addi %mul3A_0, %mul3A_146 : i32
          %dma_start3A_148 = tpu.memref_slice %arg2[%add3A_147] : memref<9633792xi32, #tpu.memory_space<hbm>> -> memref<7168xi32, #tpu.memory_space<hbm>>
          %dma_start3A_149 = tpu.memref_slice %arg2[%add3A_147] : memref<9633792xi32, #tpu.memory_space<hbm>> -> memref<7168xi32, #tpu.memory_space<hbm>>
          tpu.enqueue_dma source(%dma_start3A_149 : memref<7168xi32, #tpu.memory_space<hbm>>) target(%arg5 : memref<7168xi32, #tpu.memory_space<vmem>>) target_semaphore(%arg10 : memref<!tpu.dma_semaphore, #tpu.memory_space<semaphore_mem>>)
          %dma_start3A_150 = tpu.memref_slice %arg3[%add3A_147] : memref<9633792xf32, #tpu.memory_space<hbm>> -> memref<7168xf32, #tpu.memory_space<hbm>>
          %dma_start3A_151 = tpu.memref_slice %arg3[%add3A_147] : memref<9633792xf32, #tpu.memory_space<hbm>> -> memref<7168xf32, #tpu.memory_space<hbm>>
          tpu.enqueue_dma source(%dma_start3A_151 : memref<7168xf32, #tpu.memory_space<hbm>>) target(%arg7 : memref<7168xf32, #tpu.memory_space<vmem>>) target_semaphore(%arg10 : memref<!tpu.dma_semaphore, #tpu.memory_space<semaphore_mem>>)
        } else {
        }
      }
      %scan3A_81 = arith.constant 42 : i32
      %dma_wait3A = arith.constant 0 : i32
      %dma_wait3A_82 = tpu.memref_slice %arg9[%dma_wait3A] : memref<1613824xf32, #tpu.memory_space<vmem_shared>> -> memref<1613824xf32, #tpu.memory_space<vmem_shared>>
      tpu.wait_indirect_dma semaphore(%arg13 : memref<!tpu.dma_semaphore, #tpu.memory_space<semaphore_mem>>) src(%arg8 : memref<7168xf32, #tpu.memory_space<vmem>>) dst(%dma_wait3A_82 : memref<1613824xf32, #tpu.memory_space<vmem_shared>>)
      %barrier3A_83 = arith.constant 0 : index
      tpu.barrier barrier_id(%barrier3A_83)
      %mul3A_84 = arith.constant 100352 : i32
      %mul3A_85 = arith.muli %arg1, %mul3A_84 : i32
      %mul3A_86 = arith.constant 100352 : i32
      %mul3A_87 = arith.muli %arg1, %mul3A_86 : i32
      %add3A_88 = arith.addi %mul3A_10, %mul3A_87 : i32
      "tpu.region"() ({
        %run_scoped3A = tpu.sem_alloc : memref<!tpu.dma_semaphore, #tpu.memory_space<semaphore_mem>>
        %dma_start3A_90 = tpu.memref_slice %arg4[%add3A_88] : memref<38535168xf32, #tpu.memory_space<hbm>> -> memref<100352xf32, #tpu.memory_space<hbm>>
        %dma_start3A_91 = tpu.memref_slice %arg9[%mul3A_85] : memref<1613824xf32, #tpu.memory_space<vmem_shared>> -> memref<100352xf32, #tpu.memory_space<vmem_shared>>
        tpu.enqueue_dma source(%dma_start3A_91 : memref<100352xf32, #tpu.memory_space<vmem_shared>>) target(%dma_start3A_90 : memref<100352xf32, #tpu.memory_space<hbm>>) target_semaphore(%run_scoped3A : memref<!tpu.dma_semaphore, #tpu.memory_space<semaphore_mem>>)
        %dma_wait3A_92 = tpu.memref_slice %arg4[%add3A_88] : memref<38535168xf32, #tpu.memory_space<hbm>> -> memref<100352xf32, #tpu.memory_space<hbm>>
        %dma_wait3A_93 = tpu.memref_slice %arg9[%mul3A_85] : memref<1613824xf32, #tpu.memory_space<vmem_shared>> -> memref<100352xf32, #tpu.memory_space<vmem_shared>>
        tpu.wait_dma2 semaphore(%run_scoped3A : memref<!tpu.dma_semaphore, #tpu.memory_space<semaphore_mem>>) src(%dma_wait3A_93 : memref<100352xf32, #tpu.memory_space<vmem_shared>>) dst(%dma_wait3A_92 : memref<100352xf32, #tpu.memory_space<hbm>>)
        tpu.yield
      }) : () -> ()
      %barrier3A_89 = arith.constant 0 : index
      tpu.barrier barrier_id(%barrier3A_89)
    }
    %scan3A_5 = arith.constant 12 : i32
    return
  }
}

</mosaic_0001>

<sc_bundles>
// kernel: kernel.3.cloned.1.call-start
scs
__scs_entry_jumppad:
0x0: {  	(pc) =	sbr.rel $0x88, $3  }
0x1: {  	(tag) =	ssettag $0x0;
	lr =	simm.s32 $0x1  }
0x2: {  	[smem:$0x3F9F] =	sst lr;
	_ =	strace $0xD0000000  }
0x3: {  	_ = 	snop  }
0x4: {  	_ = 	snop  }
0x5: {  	_ = 	snop  }
0x6: {  	_ = 	snop  }
0x7: {  	_ = 	snop  }
__scs_overlays_trampoline_lowered:
0x8: {  	[smem:$0x3FAE] =	sst s0  }
0x9: {  	[smem:$0x3FAF] =	sst s1  }
0xa: {  	[smem:$0x3FB0] =	sst s2  }
0xb: {  	[smem:$0x3FB1] =	sst s3  }
0xc: {  	[smem:$0x3FB2] =	sst s4  }
0xd: {  	[smem:$0x3FB3] =	sst s5  }
0xe: {  	[smem:$0x3FB4] =	sst s6  }
0xf: {  	[smem:$0x3FB5] =	sst s7  }
0x10: {  	[smem:$0x3FB6] =	sst s8  }
0x11: {  	[smem:$0x3FB7] =	sst s9;
	s0 =	simm.s32 @!p0 $0x0  }
0x12: {  	s1 =	sld [smem:$0x3F9D];
	s0 =	simm.s32 @p0 $0x1  }
0x13: {  	[smem:$0x3FB8] =	sst s0;
	s0 =	simm.s32 @!p1 $0x0  }
0x14: {  	s2 =	sld [smem:$0x3F9C];
	s0 =	simm.s32 @p1 $0x1  }
0x15: {  	[smem:$0x3FB9] =	sst s0;
	s0 =	simm.s32 @!p2 $0x0  }
0x16: {  	s3 =	sld [smem:$0x3FDB];
	s0 =	simm.s32 @p2 $0x1  }
0x17: {  	s4 =	simm.s32 $0x1BF5;
	[smem:$0x3FBB] =	sst s0  }
0x18: {  	s0 =	sld [smem:$0x3F9E];
	_ =	swait.ge [sflag:s4], $0x0  }
0x19: {  	s7 =	sld [smem:$0x3F9F]  }
0x1a: {  	s8 =	sadd.s32 $0xFFFFE003, lr  }
0x1b: {  	s9 =	sadd.s32 $0xFFFFFEF7, lr;
	s5 =	simm.s32 $0xFFFFFFFF;
	p2 =	slt.u32 s8, $0xFFFFF086  }
0x1c: {  	p1 =	slt.u32 s9, $0xF7A;
	s5 =	simm.s32 @!p2 $0x0  }
0x1d: {  	s5 =	simm.s32 @p1 $0x1;
	p0 =	seq.s32 s7, s2  }
0x1e: {  	s7 =	smul.u32 @!p0 $0xF7A, s2;
	p2 =	seq.s32 @!p0 s5, $0x0  }
0x1f: {  	s9 =	smul.u32 $0xF7A, s1;
	s8 =	simm.s32 @!p0 $0x1BF5;
	p2 =	por !p2, p0  }
0x20: {  	[sflag:s8] =	ssyncset.s32 @!p0 $0xFFFFF086;
	s6 =	sadd.s32 @!p0 s3, s7;
	s7 =	simm.s32 @!p0 $0x108  }
0x21: {  	s3 =	sadd.s32 s3, s9;
	s6 =	sadd.s32 @!p0 $0x88, s6;
	s7 =	simm.s32 @p2 $0x1082  }
0x22: {  	[simem:s7], [sflag:s8] =	dma.local @!p0 [hbm:s6], $0xF7A  }
0x23: {  	s9 =	sor.u32 $0xD0000000, s2;
	s6 =	simm.s32 $0x108;
	_ =	swait.ge @!p0 [sflag:s8], $0x0  }
0x24: {  	s3 =	sadd.s32 $0x88, s3;
	s6 =	simm.s32 @!p1 $0x1082;
	[sflag:s4] =	ssyncset.s32 $0xFFFFF086  }
0x25: {  	[simem:s6], [sflag:s4] =	dma.local [hbm:s3], $0xF7A  }
0x26: {  	[smem:$0x3F9F] =	sst s1;
	(tag) =	ssettag s2;
	_ =	strace s9  }
0x27: {  	s1 =	sld [smem:$0x3FAF]  }
0x28: {  	s2 =	sld [smem:$0x3FB0]  }
0x29: {  	s4 =	sld [smem:$0x3FB2]  }
0x2a: {  	p0 =	seq.s32 s5, $0x0;
	s5 =	sld [smem:$0x3FB3]  }
0x2b: {  	s6 =	sld [smem:$0x3FB4]  }
0x2c: {  	s7 =	sld [smem:$0x3FB5]  }
0x2d: {  	s3 =	simm.s32 $0x108;
	s8 =	sld [smem:$0x3FB6]  }
0x2e: {  	s3 =	simm.s32 @!p0 $0x1082;
	s9 =	sld [smem:$0x3FB7]  }
0x2f: {  	lr =	sadd.s32 s0, s3;
	s0 =	sld [smem:$0x3FAE]  }
0x30: {  	s3 =	sld [smem:$0x3FB1]  }
0x31: {  	[smem:$0x3FBA] =	sst s10  }
0x32: {  	s10 =	sld [smem:$0x3FB8];
	_ =	sdelay $0x3  }
0x33: {  	p0 =	seq.s32 s10, $0x1;
	s10 =	sld [smem:$0x3FBA];
	_ =	sdelay $0x3  }
0x34: {  	[smem:$0x3FBA] =	sst s10  }
0x35: {  	s10 =	sld [smem:$0x3FB9];
	_ =	sdelay $0x3  }
0x36: {  	p1 =	seq.s32 s10, $0x1;
	s10 =	sld [smem:$0x3FBA];
	_ =	sdelay $0x3  }
0x37: {  	[smem:$0x3FBA] =	sst s10  }
0x38: {  	s10 =	sld [smem:$0x3FBB]  }
0x39: {  	_ = 	snop;
	(pc) =	sbr.ind lr, $3  }
0x3a: {  	_ = 	snop  }
0x3b: {  	_ = 	snop  }
0x3c: {  	p2 =	seq.s32 s10, $0x1;
	s10 =	sld [smem:$0x3FBA]  }
0x3d: {  	_ =	shalt  }
0x3e: {  	_ =	shalt  }
0x3f: {  	_ =	shalt  }
0x40: {  	_ =	shalt  }
0x41: {  	_ =	shalt  }
0x42: {  	_ =	shalt  }
0x43: {  	_ =	shalt  }
0x44: {  	_ =	shalt  }
0x45: {  	_ =	shalt  }
0x46: {  	_ =	shalt  }
0x47: {  	_ =	shalt  }
0x48: {  	_ =	shalt  }
0x49: {  	_ =	shalt  }
0x4a: {  	_ =	shalt  }
0x4b: {  	_ =	shalt  }
0x4c: {  	_ =	shalt  }
0x4d: {  	_ =	shalt  }
0x4e: {  	_ =	shalt  }
0x4f: {  	_ =	shalt  }
0x50: {  	_ =	shalt  }
0x51: {  	_ =	shalt  }
0x52: {  	_ =	shalt  }
0x53: {  	_ =	shalt  }
0x54: {  	_ =	shalt  }
0x55: {  	_ =	shalt  }
0x56: {  	_ =	shalt  }
0x57: {  	_ =	shalt  }
0x58: {  	_ =	shalt  }
0x59: {  	_ =	shalt  }
0x5a: {  	_ =	shalt  }
0x5b: {  	_ =	shalt  }
0x5c: {  	_ =	shalt  }
0x5d: {  	_ =	shalt  }
0x5e: {  	_ =	shalt  }
0x5f: {  	_ =	shalt  }
0x60: {  	_ =	shalt  }
0x61: {  	_ =	shalt  }
0x62: {  	_ =	shalt  }
0x63: {  	_ =	shalt  }
0x64: {  	_ =	shalt  }
0x65: {  	_ =	shalt  }
0x66: {  	_ =	shalt  }
0x67: {  	_ =	shalt  }
0x68: {  	_ =	shalt  }
0x69: {  	_ =	shalt  }
0x6a: {  	_ =	shalt  }
0x6b: {  	_ =	shalt  }
0x6c: {  	_ =	shalt  }
0x6d: {  	_ =	shalt  }
0x6e: {  	_ =	shalt  }
0x6f: {  	_ =	shalt  }
0x70: {  	_ =	shalt  }
0x71: {  	_ =	shalt  }
0x72: {  	_ =	shalt  }
0x73: {  	_ =	shalt  }
0x74: {  	_ =	shalt  }
0x75: {  	_ =	shalt  }
0x76: {  	_ =	shalt  }
0x77: {  	_ =	shalt  }
0x78: {  	_ =	shalt  }
0x79: {  	_ =	shalt  }
0x7a: {  	_ =	shalt  }
0x7b: {  	_ =	shalt  }
0x7c: {  	_ =	shalt  }
0x7d: {  	_ =	shalt  }
0x7e: {  	_ =	shalt  }
0x7f: {  	_ =	shalt  }
0x80: {  	_ =	shalt  }
0x81: {  	_ =	shalt  }
0x82: {  	_ =	shalt  }
0x83: {  	_ =	shalt  }
0x84: {  	_ =	shalt  }
0x85: {  	_ =	shalt  }
0x86: {  	_ =	shalt  }
0x87: {  	_ =	shalt  }
.Lfunc_end0:
.L_simem_size_0:
called_computation.1_lowered:
.L_overlay_start_0:
0x88: {  	s2 =	sld [smem:$0x3FD9]  }
0x89: {  	s3 =	sld [smem:$0x3FFE];
	_ =	sdelay $0x1  }
0x8a: {  	s1 =	srdreg.scid  }
0x8b: {  	s0 =	sand.u32 $0x1, s1  }
0x8c: {  	s17 =	sshll.u32 s0, $0xA;
	s2 =	sadd.s32 s3, s2  }
0x8d: {  	s2 =	sadd.s32 s2, s17  }
0x8e: {  	[smem:$0x3FC6] =	sst s2  }
0x8f: {  	_ = 	snop  }
0x90: {  	s2 =	sld [smem:$0x3FD0];
	(tm) =	ssettm $0x1  }
0x91: {  	s18 =	sld [smem:$0x3FFB];
	_ =	sdelay $0x3  }
0x92: {  	_ =	strace s18  }
0x93: {  	s3 =	sld [smem:$0x3FFC];
	_ =	sdelay $0x3  }
0x94: {  	_ =	strace s3  }
0x95: {  	s3 =	sld [smem:$0x3FFD];
	_ =	sdelay $0x3  }
0x96: {  	_ =	strace s3  }
0x97: {  	_ =	strace $0x8FFFFFFF  }
0x98: {  	s19 =	sld [smem:$0x3FDB];
	_ =	sdelay $0x1  }
0x99: {  	s4 =	simm.s32 $_scs_section_size  }
0x9a: {  	s5 =	simm.s32 $_size__tile_overlayer_lowered;
	s6 =	simm.s32 $_tile_overlayer_lowered  }
0x9b: {  	s22 =	simm.s32 $0x1BFF;
	s21 =	sshll.u32 s6, $0x1;
	s3 =	sadd.s32 s4, s19  }
0x9c: {  	s7 =	simm.s32 $0x0;
	s20 =	sshll.u32 s5, $0x1;
	s5 =	sadd.s32 s21, s3  }
0x9d: {  	[timem:s7], [sflag:s22] =	dma.local [hbm:s5], s20  }
0x9e: {  	_ =	swait.ge [sflag:s22], s20  }
0x9f: {  	s4 =	ssub.s32 $0x0, s20;
	[sflag:s22] =	ssyncset.done $0x0  }
0xa0: {  	[sflag:s22] =	ssyncadd.s32 s4;
	_ =	sdelay $0x1  }
0xa1: {  	s23 =	simm.s32 $0x1B8B  }
0xa2: {  	_ =	swait.ge [sflag:s23], $0x1  }
0xa3: {  	[sflag:s23] =	ssyncset.done $0x0  }
0xa4: {  	s25 =	simm.s32 $0x1B8E;
	s24 =	sld [smem:$0x3FFE];
	[sflag:s23] =	ssyncadd.s32 $0xFFFFFFFF  }
0xa5: {  	s26 =	simm.s32 $execute0_lowered;
	[smem:$0x3FD2] =	sst s25  }
0xa6: {  	s5 =	sshll.u32 s26, $0x1;
	_ =	strace $0x80000046;
	[dreg:$0x1] =	wrdreg $0xFFFFFFFF  }
0xa7: {  	s28 =	simm.s32 $_size_execute0_lowered;
	s3 =	sadd.s32 s3, s5;
	[dreg:$0x0] =	wrdreg $0x0  }
0xa8: {  	s5 =	sshll.u32 s28, $0x1;
	[dreg:$0x2] =	wrdreg s3  }
0xa9: {  	[dreg:$0x3] =	wrdreg s5  }
0xaa: {  	[dreg:$0x4] =	wrdreg $0xC0  }
0xab: {  	_ =	task [dreg:s7], $0x5FFFF  }
0xac: {  	[dreg:$0x1] =	wrdreg $0xFFFFFFFF  }
0xad: {  	[dreg:$0x0] =	wrdreg $0x60  }
0xae: {  	[dreg:$0x2] =	wrdreg s24  }
0xaf: {  	[dreg:$0x3] =	wrdreg s2  }
0xb0: {  	[dreg:$0x4] =	wrdreg $0x70000  }
0xb1: {  	[dreg:$0x5] =	wrdreg $0x9  }
0xb2: {  	_ =	task.clear_ibuf [dreg:s7], $0x6FFFF;
	_ =	strace $0x90000046  }
0xb3: {  	s29 =	simm.s32 $0x9;
	_ =	strace $0x80000048  }
0xb4: {  	_ =	swait.ge [sflag:s29], $0x1  }
0xb5: {  	[sflag:s29] =	ssyncadd.s32 $0xFFFFFFFF  }
0xb6: {  	_ =	strace $0x90000048  }
0xb7: {  	_ =	sfence  }
0xb8: {  	s30 =	sld [smem:$0x0];
	_ =	sdelay $0x2  }
0xb9: {  	s31 =	sshll.u32 s1, $0xD;
	s1 =	sshrl.u32 s1, $0x2  }
0xba: {  	s3 =	sand.u32 $0x4000, s31;
	s1 =	sadd.s32 s1, s30  }
0xbb: {  	s0 =	sor.u32 s3, s0;
	s1 =	sshll.u32 s1, $0x11  }
0xbc: {  	s0 =	sor.u32 s1, s0  }
0xbd: {  	s0 =	sadd.s32 $0x8F2B, s0  }
0xbe: {  	[sflag:s0] =	ssyncadd.remote.s32 $0x1  }
0xbf: {  	_ =	sfence.sel $0xFFFF  }
0xc0: {  	[dreg:$0x0] =	wrdreg $0xFFFFFFFF;
	(pc) =	sbr.abs _section_cstart, $3  }
0xc1: {  	[dreg:$0x1] =	wrdreg $0xFFFFFFFF  }
0xc2: {  	_ =	task.clear_ibuf [dreg:s7], $0x2FFFF;
	_ =	strace $0x9FFFFFFF  }
0xc3: {  	(tm) =	ssettm $0x7FFFFFFF  }
tec
execute0_lowered:
.L_overlay_start_1:
0x0: {  	(tag) =	ssettag $0x1  }
0x1: {  	s0 =	rddreg [dreg:$0x0]  }
0x2: {  	s3 =	rddreg [dreg:$0x2];
	s4 =	simm.s32 $0x0  }
0x3: {  	s1 =	srdreg.scid;
	s2 =	stileid.u32;
	s29 =	simm.s32 $0x3800  }
0x4: {  	s30 =	simm.s32 $0x5;
	s31 =	simm.s32 $0x1;
	s10 =	simm.s32 $0x0  }
0x5: {  	[smem:$0x7FF] =	sst s4;
	s1 =	sand.u32 $0x1, s1;
	s5 =	smul.u32 $0x18800, s2  }
0x6: {  	s7 =	sadd.s32 $0x126800, s0;
	s8 =	sadd.s32 $0x800, s0;
	s15 =	smul.u32 $0x1C00, s2  }
0x7: {  	_ =	strace $0x80000047;
	[dreg:$0x4] =	wrdreg s1;
	s1 =	ssub.s32 $0x2, s1  }
0x8: {  	s2 =	simm.s32 $0x3;
	s14 =	sshrl.u32 s1, $0x1;
	[dreg:$0x5] =	wrdreg s5  }
0x9: {  	s9 =	sadd.s32 s5, s3;
	s26 =	sshrl.u32 s15, $0x3;
	s5 =	simm.s32 $0x4  }
0xa: {  	s0 =	ssub.s32 s1, s14;
	s20 =	sadd.s32 $0x1C00, s9;
	s21 =	sadd.s32 $0x3800, s9  }
0xb: {  	s22 =	sadd.s32 $0x5400, s9;
	s23 =	sadd.s32 $0x7000, s9;
	[dreg:$0x6] =	wrdreg s20  }
0xc: {  	s24 =	sadd.s32 $0x8C00, s9;
	s25 =	sadd.s32 $0xA800, s9;
	[dreg:$0x7] =	wrdreg s21  }
0xd: {  	s16 =	sadd.s32 $0xC400, s9;
	s17 =	sadd.s32 $0xE000, s9;
	[dreg:$0x8] =	wrdreg s22  }
0xe: {  	s18 =	sadd.s32 $0xFC00, s9;
	s19 =	sadd.s32 $0x11800, s9;
	[dreg:$0x9] =	wrdreg s23  }
.Ltmp0:
0xf: {  	s28 =	sadd.s32 $0x16C00, s9;
	[dreg:$0xa] =	wrdreg s24;
	(pc) =	sbr.rel .LBB2_1-.Ltmp0, $4  }
0x10: {  	s1 =	simm.s32 $0x2;
	[dreg:$0xb] =	wrdreg s25;
	s20 =	sadd.s32 $0x13400, s9  }
0x11: {  	s21 =	sadd.s32 s7, s26;
	s22 =	sadd.s32 s8, s26;
	s23 =	sadd.s32 $0x1C000, s15  }
0x12: {  	s24 =	sadd.s32 $0x38000, s15;
	s0 =	smax.u32 s0, $0x1;
	s26 =	sadd.s32 $0x15000, s9  }
0x13: {  	v0 =	vimm.f32 $0.0e+00;
	s25 =	simm.s32 $0x5400;
	[dreg:$0xc] =	wrdreg s0;
	s0 =	simm.s32 $0x1C00  }
.LBB2_12:
0x14: {  	s10 =	rddreg [dreg:$0xd]  }
0x15: {  	s6 =	rddreg [dreg:$0xc];
	s10 =	sadd.s32 $0x1, s10  }
0x16: {  	p0 =	sne.s32 s10, s6  }
.Ltmp1:
0x17: {  	_ = 	snop;
	(pc) =	sbr.rel @!p0 .LBB2_13-.Ltmp1, $1  }
0x18: {  	_ =	sdelay $0x3  }
.LBB2_1:
.Ltmp2:
0x19: {  	(pc) =	sbr.rel .LBB2_2-.Ltmp2, $2  }
0x1a: {  	_ =	sdelay $0x2  }
0x1b: {  	[dreg:$0xd] =	wrdreg s10;
	s6 =	simm.s32 $0x0  }
.LBB2_11:
0x1c: {  	_ =	swait.ge [sflag:s5], $0x1C00  }
0x1d: {  	s14 =	stileid.u32;
	[sflag:s5] =	ssyncset.done $0x0  }
0x1e: {  	s15 =	sshrl.u32 s9, $0x3;
	s11 =	rddreg [dreg:$0x5];
	[sflag:s5] =	ssyncadd.s32 $0xFFFFE400  }
0x1f: {  	s6 =	sadd.s32 $0x1, s6;
	s10 =	sadd.s32 s11, s10;
	[bflag:$0x0] =	sbarrier.arrive $0xFFFF  }
0x20: {  	s11 =	sshll.u32 s14, $0x6;
	s10 =	sshrl.u32 s10, $0x3;
	s12 =	rddreg [dreg:$0x1]  }
0x21: {  	p0 =	sne.s32 s6, $0xC;
	s11 =	sor.u32 $0x1C05, s11;
	s10 =	sadd.s32 s12, s10  }
0x22: {  	[hbm:s10], [sflag:s11] =	dma.local [spmem:s15], $0x3100  }
.Ltmp3:
0x23: {  	_ =	swait.ge [sflag:s30], $0x3100;
	(pc) =	sbr.rel @!p0 .LBB2_12-.Ltmp3, $3  }
0x24: {  	[sflag:s30] =	ssyncset.done $0x0  }
0x25: {  	[sflag:s30] =	ssyncadd.s32 $0xFFFFCF00  }
0x26: {  	[bflag:$0x0] =	sbarrier.arrive $0xFFFF;
	_ =	sdelay $0x1  }
.LBB2_2:
0x27: {  	s10 =	simm.s32 $0x40;
	s11 =	simm.s32 $0x0  }
.LBB2_3:
0x28: {  	p0 =	sne.s32 s10, $0x6FC0;
	[tilespmem:s11+$0x3800] =	vst v0;
	s11 =	smov.u32 s10;
	s10 =	sadd.s32 $0x40, s10  }
.Ltmp4:
0x29: {  	(pc) =	sbr.rel @p0 .LBB2_3-.Ltmp4, $2  }
0x2a: {  	_ =	sdelay $0x2  }
0x2b: {  	s11 =	sshra.s32 s11, $0x2  }
0x2c: {  	[tilespmem:s11+$0x3800] =	vst v0  }
0x2d: {  	[spmem:s9] =	stream.linear.scatter [tilespmem:s29], [sflag:$0x5], $0x1C00, $0x38;
	[tilespmem:$0x1FA00] =	vst v63  }
0x2e: {  	_ =	swait.ge [sflag:s30], $0x1C00  }
0x2f: {  	[sflag:s30] =	ssyncset.done $0x0  }
0x30: {  	s10 =	rddreg [dreg:$0x6];
	[sflag:s30] =	ssyncadd.s32 $0xFFFFE400  }
0x31: {  	[spmem:s10] =	stream.linear.scatter [tilespmem:s29], [sflag:$0x5], $0x1C00, $0x38;
	[tilespmem:$0x1FA00] =	vst v63  }
0x32: {  	_ =	swait.ge [sflag:s30], $0x1C00  }
0x33: {  	[sflag:s30] =	ssyncset.done $0x0  }
0x34: {  	s14 =	rddreg [dreg:$0x7];
	[sflag:s30] =	ssyncadd.s32 $0xFFFFE400  }
0x35: {  	[spmem:s14] =	stream.linear.scatter [tilespmem:s29], [sflag:$0x5], $0x1C00, $0x38;
	[tilespmem:$0x1FA00] =	vst v63  }
0x36: {  	_ =	swait.ge [sflag:s30], $0x1C00  }
0x37: {  	[sflag:s30] =	ssyncset.done $0x0  }
0x38: {  	s15 =	rddreg [dreg:$0x8];
	[sflag:s30] =	ssyncadd.s32 $0xFFFFE400  }
0x39: {  	[spmem:s15] =	stream.linear.scatter [tilespmem:s29], [sflag:$0x5], $0x1C00, $0x38;
	[tilespmem:$0x1FA00] =	vst v63  }
0x3a: {  	_ =	swait.ge [sflag:s30], $0x1C00  }
0x3b: {  	[sflag:s30] =	ssyncset.done $0x0  }
0x3c: {  	s11 =	rddreg [dreg:$0x9];
	[sflag:s30] =	ssyncadd.s32 $0xFFFFE400  }
0x3d: {  	[spmem:s11] =	stream.linear.scatter [tilespmem:s29], [sflag:$0x5], $0x1C00, $0x38;
	[tilespmem:$0x1FA00] =	vst v63  }
0x3e: {  	_ =	swait.ge [sflag:s30], $0x1C00  }
0x3f: {  	[sflag:s30] =	ssyncset.done $0x0  }
0x40: {  	s12 =	rddreg [dreg:$0xa];
	[sflag:s30] =	ssyncadd.s32 $0xFFFFE400  }
0x41: {  	[spmem:s12] =	stream.linear.scatter [tilespmem:s29], [sflag:$0x5], $0x1C00, $0x38;
	[tilespmem:$0x1FA00] =	vst v63  }
0x42: {  	_ =	swait.ge [sflag:s30], $0x1C00  }
0x43: {  	[sflag:s30] =	ssyncset.done $0x0  }
0x44: {  	s13 =	rddreg [dreg:$0xb];
	[sflag:s30] =	ssyncadd.s32 $0xFFFFE400  }
0x45: {  	[spmem:s13] =	stream.linear.scatter [tilespmem:s29], [sflag:$0x5], $0x1C00, $0x38;
	[tilespmem:$0x1FA00] =	vst v63  }
0x46: {  	_ =	swait.ge [sflag:s30], $0x1C00  }
0x47: {  	[sflag:s30] =	ssyncset.done $0x0  }
0x48: {  	[sflag:s30] =	ssyncadd.s32 $0xFFFFE400  }
0x49: {  	[spmem:s16] =	stream.linear.scatter [tilespmem:s29], [sflag:$0x5], $0x1C00, $0x38;
	[tilespmem:$0x1FA00] =	vst v63  }
0x4a: {  	_ =	swait.ge [sflag:s30], $0x1C00  }
0x4b: {  	[sflag:s30] =	ssyncset.done $0x0  }
0x4c: {  	[sflag:s30] =	ssyncadd.s32 $0xFFFFE400  }
0x4d: {  	[spmem:s17] =	stream.linear.scatter [tilespmem:s29], [sflag:$0x5], $0x1C00, $0x38;
	[tilespmem:$0x1FA00] =	vst v63  }
0x4e: {  	_ =	swait.ge [sflag:s30], $0x1C00  }
0x4f: {  	[sflag:s30] =	ssyncset.done $0x0  }
0x50: {  	[sflag:s30] =	ssyncadd.s32 $0xFFFFE400  }
0x51: {  	[spmem:s18] =	stream.linear.scatter [tilespmem:s29], [sflag:$0x5], $0x1C00, $0x38;
	[tilespmem:$0x1FA00] =	vst v63  }
0x52: {  	_ =	swait.ge [sflag:s30], $0x1C00  }
0x53: {  	[sflag:s30] =	ssyncset.done $0x0  }
0x54: {  	[sflag:s30] =	ssyncadd.s32 $0xFFFFE400  }
0x55: {  	[spmem:s19] =	stream.linear.scatter [tilespmem:s29], [sflag:$0x5], $0x1C00, $0x38;
	[tilespmem:$0x1FA00] =	vst v63  }
0x56: {  	_ =	swait.ge [sflag:s30], $0x1C00  }
0x57: {  	[sflag:s30] =	ssyncset.done $0x0  }
0x58: {  	[sflag:s30] =	ssyncadd.s32 $0xFFFFE400  }
0x59: {  	[spmem:s20] =	stream.linear.scatter [tilespmem:s29], [sflag:$0x5], $0x1C00, $0x38;
	[tilespmem:$0x1FA00] =	vst v63  }
0x5a: {  	_ =	swait.ge [sflag:s30], $0x1C00  }
0x5b: {  	[sflag:s30] =	ssyncset.done $0x0  }
0x5c: {  	[sflag:s30] =	ssyncadd.s32 $0xFFFFE400  }
0x5d: {  	[spmem:s26] =	stream.linear.scatter [tilespmem:s29], [sflag:$0x5], $0x1C00, $0x38;
	[tilespmem:$0x1FA00] =	vst v63  }
0x5e: {  	_ =	swait.ge [sflag:s30], $0x1C00  }
0x5f: {  	[sflag:s30] =	ssyncset.done $0x0  }
0x60: {  	[sflag:s30] =	ssyncadd.s32 $0xFFFFE400  }
0x61: {  	[spmem:s28] =	stream.linear.scatter [tilespmem:s29], [sflag:$0x5], $0x1C00, $0x38;
	[tilespmem:$0x1FA00] =	vst v63  }
0x62: {  	_ =	swait.ge [sflag:s30], $0x1C00  }
0x63: {  	s14 =	sshll.u32 s6, $0x1;
	[sflag:s30] =	ssyncset.done $0x0;
	s15 =	rddreg [dreg:$0x4]  }
0x64: {  	[sflag:s30] =	ssyncadd.s32 $0xFFFFE400;
	s10 =	sor.u32 s15, s14  }
0x65: {  	s11 =	simm.s32 $0x0;
	[bflag:$0x0] =	sbarrier.arrive $0xFFFF;
	s10 =	smul.u32 $0x188000, s10  }
0x66: {  	[tilespmem:s11], [sflag:$0x1] =	stream.linear.gather [hbm4b:s21+s11], $0x1C00, $0x38;
	[tilespmem:$0x1FA00] =	vst v63  }
0x67: {  	_ = 	snop  }
0x68: {  	v1 =	vmov s10;
	[tilespmem:s29], [sflag:$0x1] =	stream.linear.gather [hbm4b:s22+s11], $0x1C00, $0x38;
	[tilespmem:$0x1FA00] =	vst v63  }
.LBB2_5:
0x69: {  	_ =	swait.ge [sflag:s31], $0x1C00  }
0x6a: {  	[sflag:s31] =	ssyncset.done $0x0  }
0x6b: {  	[sflag:s31] =	ssyncadd.s32 $0xFFFFE400  }
0x6c: {  	_ =	swait.ge [sflag:s31], $0x1C00  }
0x6d: {  	[sflag:s31] =	ssyncset.done $0x0  }
0x6e: {  	s12 =	simm.s32 $0x0;
	[sflag:s31] =	ssyncadd.s32 $0xFFFFE400  }
0x6f: {  	v2 =	vld [tilespmem:s12+$0x0]  }
0x70: {  	v4 =	vld [tilespmem:s12+$0x20]  }
0x71: {  	v6 =	vld [tilespmem:s12+$0x30];
	_ =	sdelay $0x1  }
0x72: {  	v3 =	vld [tilespmem:s12+$0x10]  }
0x73: {  	v9 =	vld [tilespmem:s12+$0x50]  }
0x74: {  	v5 =	vsub.s32 v2, v1;
	v2 =	vand.u32 $0x1FFF, v2  }
0x75: {  	v8 =	vsub.s32 v4, v1;
	v4 =	vand.u32 $0x1FFF, v4;
	v10 =	vsub.s32 v6, v1  }
0x76: {  	v7 =	vld [tilespmem:s12+$0x40];
	v6 =	vand.u32 $0x1FFF, v6;
	vm0 =	vlt.u32 v5, $0x188000;
	v2 =	vor.u32 $0x188000, v2  }
0x77: {  	v2 =	vsel vm0, v5, v2;
	v5 =	vsub.s32 v3, v1;
	v3 =	vand.u32 $0x1FFF, v3  }
0x78: {  	v13 =	vsub.s32 v9, v1;
	vm0 =	vlt.u32 v5, $0x188000;
	v3 =	vor.u32 $0x188000, v3  }
0x79: {  	v4 =	vor.u32 $0x188000, v4;
	v3 =	vsel vm0, v5, v3;
	vm0 =	vlt.u32 v8, $0x188000;
	v5 =	vld [tilespmem:s12+$0x60]  }
0x7a: {  	v6 =	vor.u32 $0x188000, v6;
	v4 =	vsel vm0, v8, v4;
	vm0 =	vlt.u32 v10, $0x188000  }
0x7b: {  	v11 =	vld [tilespmem:s12+$0x70];
	v6 =	vsel vm0, v10, v6;
	v10 =	vsub.s32 v7, v1;
	v7 =	vand.u32 $0x1FFF, v7  }
0x7c: {  	v12 =	vld [tilespmem:s12+$0x90];
	v9 =	vand.u32 $0x1FFF, v9;
	vm0 =	vlt.u32 v10, $0x188000;
	v7 =	vor.u32 $0x188000, v7  }
0x7d: {  	[tilespmem:s12+$0x0] =	vst v2;
	v2 =	vor.u32 $0x188000, v9;
	v8 =	vld [tilespmem:s12+$0x80];
	v7 =	vsel vm0, v10, v7  }
0x7e: {  	vm0 =	vlt.u32 v13, $0x188000;
	v9 =	vsub.s32 v5, v1;
	v5 =	vand.u32 $0x1FFF, v5  }
0x7f: {  	v2 =	vsel vm0, v13, v2;
	vm0 =	vlt.u32 v9, $0x188000;
	v5 =	vor.u32 $0x188000, v5  }
0x80: {  	v14 =	vld [tilespmem:s12+$0xA0];
	[tilespmem:s12+$0x10] =	vst v3;
	v3 =	vsub.s32 v11, v1;
	v63 =	vsel vm0, v9, v5;
	v5 =	vand.u32 $0x1FFF, v11  }
0x81: {  	[tilespmem:s12+$0x30] =	vst v6;
	v6 =	vsub.s32 v12, v1;
	v10 =	vld [tilespmem:s12+$0xB0];
	vm0 =	vlt.u32 v3, $0x188000;
	v5 =	vor.u32 $0x188000, v5  }
0x82: {  	v9 =	vsub.s32 v8, v1;
	v3 =	vsel vm0, v3, v5;
	v5 =	vand.u32 $0x1FFF, v8  }
0x83: {  	[tilespmem:s12+$0x20] =	vst v4;
	v4 =	vld [tilespmem:s12+$0xC0];
	vm0 =	vlt.u32 v9, $0x188000;
	v8 =	vand.u32 $0x1FFF, v12;
	v5 =	vor.u32 $0x188000, v5  }
0x84: {  	[tilespmem:s12+$0x40] =	vst v7;
	v8 =	vor.u32 $0x188000, v8;
	v7 =	vsel vm0, v9, v5;
	vm0 =	vlt.u32 v6, $0x188000  }
0x85: {  	v5 =	vld [tilespmem:s12+$0xD0];
	v9 =	vand.u32 $0x1FFF, v14;
	v6 =	vsel vm0, v6, v8;
	v8 =	vsub.s32 v14, v1  }
0x86: {  	[tilespmem:s12+$0x50] =	vst v2;
	v2 =	vld [tilespmem:s12+$0xE0];
	v11 =	vor.u32 $0x188000, v9;
	v9 =	vsub.s32 v10, v1;
	vm0 =	vlt.u32 v8, $0x188000  }
0x87: {  	s13 =	simm.s32 $0x400;
	[tilespmem:s12+$0x60] =	vst v63;
	v10 =	vand.u32 $0x1FFF, v10;
	v8 =	vsel vm0, v8, v11;
	vm0 =	vlt.u32 v9, $0x188000  }
.LBB2_6:
0x88: {  	p0 =	sne.s32 s13, $0x6C00;
	[tilespmem:s12+$0x70] =	vst v3;
	v3 =	vor.u32 $0x188000, v10;
	v10 =	vsub.s32 v4, v1;
	v4 =	vand.u32 $0x1FFF, v4;
	v11 =	vld [tilespmem:s12+$0xF0]  }
0x89: {  	s14 =	sshra.s32 s13, $0x2;
	[tilespmem:s12+$0x80] =	vst v7;
	v3 =	vsel vm0, v9, v3;
	vm0 =	vlt.u32 v10, $0x188000;
	v4 =	vor.u32 $0x188000, v4  }
0x8a: {  	v7 =	vld [tilespmem:s14+$0x0];
	[tilespmem:s12+$0x90] =	vst v6;
	v4 =	vsel vm0, v10, v4;
	v6 =	vsub.s32 v5, v1;
	v5 =	vand.u32 $0x1FFF, v5  }
0x8b: {  	[tilespmem:s12+$0xA0] =	vst v8;
	vm0 =	vlt.u32 v6, $0x188000;
	v5 =	vor.u32 $0x188000, v5;
	v8 =	vsub.s32 v2, v1  }
0x8c: {  	v2 =	vand.u32 $0x1FFF, v2;
	v9 =	vld [tilespmem:s14+$0x10];
	[tilespmem:s12+$0xB0] =	vst v3;
	v3 =	vsel vm0, v6, v5;
	vm0 =	vlt.u32 v8, $0x188000  }
0x8d: {  	v2 =	vor.u32 $0x188000, v2;
	v5 =	vld [tilespmem:s14+$0x20];
	[tilespmem:s12+$0xC0] =	vst v4;
	v4 =	vsub.s32 v11, v1;
	v6 =	vand.u32 $0x1FFF, v11  }
0x8e: {  	v2 =	vsel vm0, v8, v2;
	[tilespmem:s12+$0xD0] =	vst v3;
	vm0 =	vlt.u32 v4, $0x188000;
	v3 =	vor.u32 $0x188000, v6  }
0x8f: {  	v6 =	vsub.s32 v7, v1;
	v7 =	vand.u32 $0x1FFF, v7;
	v8 =	vld [tilespmem:s14+$0x30];
	[tilespmem:s12+$0xE0] =	vst v2;
	v2 =	vsel vm0, v4, v3  }
0x90: {  	vm0 =	vlt.u32 v6, $0x188000;
	v3 =	vor.u32 $0x188000, v7;
	[tilespmem:s12+$0xF0] =	vst v2;
	s12 =	smov.u32 s14  }
0x91: {  	v2 =	vsel vm0, v6, v3;
	v3 =	vsub.s32 v9, v1;
	v4 =	vand.u32 $0x1FFF, v9;
	v6 =	vld [tilespmem:s12+$0x40]  }
0x92: {  	vm0 =	vlt.u32 v3, $0x188000;
	v4 =	vor.u32 $0x188000, v4;
	v7 =	vsub.s32 v5, v1;
	v9 =	vld [tilespmem:s12+$0x50]  }
0x93: {  	v3 =	vsel vm0, v3, v4;
	vm0 =	vlt.u32 v7, $0x188000;
	v4 =	vand.u32 $0x1FFF, v5  }
0x94: {  	v4 =	vor.u32 $0x188000, v4;
	v5 =	vsub.s32 v8, v1;
	v8 =	vand.u32 $0x1FFF, v8;
	v10 =	vld [tilespmem:s12+$0x60]  }
0x95: {  	v4 =	vsel vm0, v7, v4;
	vm0 =	vlt.u32 v5, $0x188000;
	v7 =	vor.u32 $0x188000, v8  }
0x96: {  	v5 =	vsel vm0, v5, v7;
	v7 =	vsub.s32 v6, v1;
	v6 =	vand.u32 $0x1FFF, v6;
	v8 =	vld [tilespmem:s12+$0x70]  }
0x97: {  	vm0 =	vlt.u32 v7, $0x188000;
	v6 =	vor.u32 $0x188000, v6;
	v11 =	vsub.s32 v9, v1;
	v12 =	vld [tilespmem:s12+$0x80]  }
0x98: {  	v6 =	vsel vm0, v7, v6;
	vm0 =	vlt.u32 v11, $0x188000;
	v7 =	vand.u32 $0x1FFF, v9  }
0x99: {  	v7 =	vor.u32 $0x188000, v7;
	v9 =	vsub.s32 v10, v1;
	v10 =	vand.u32 $0x1FFF, v10;
	v13 =	vld [tilespmem:s12+$0x90]  }
0x9a: {  	v11 =	vsel vm0, v11, v7;
	vm0 =	vlt.u32 v9, $0x188000;
	v7 =	vor.u32 $0x188000, v10  }
0x9b: {  	v10 =	vsel vm0, v9, v7;
	v7 =	vsub.s32 v8, v1;
	v8 =	vand.u32 $0x1FFF, v8;
	v9 =	vld [tilespmem:s12+$0xA0]  }
0x9c: {  	[tilespmem:s12+$0x0] =	vst v2;
	vm0 =	vlt.u32 v7, $0x188000;
	v2 =	vor.u32 $0x188000, v8;
	v8 =	vsub.s32 v12, v1;
	v14 =	vld [tilespmem:s12+$0xB0]  }
0x9d: {  	[tilespmem:s12+$0x10] =	vst v3;
	v3 =	vsel vm0, v7, v2;
	vm0 =	vlt.u32 v8, $0x188000;
	v2 =	vand.u32 $0x1FFF, v12  }
.Ltmp5:
0x9e: {  	[tilespmem:s12+$0x20] =	vst v4;
	v2 =	vor.u32 $0x188000, v2;
	v12 =	vsub.s32 v13, v1;
	v13 =	vand.u32 $0x1FFF, v13;
	v4 =	vld [tilespmem:s12+$0xC0];
	(pc) =	sbr.rel @p0 .LBB2_6-.Ltmp5, $4  }
0x9f: {  	[tilespmem:s12+$0x30] =	vst v5;
	v7 =	vsel vm0, v8, v2;
	vm0 =	vlt.u32 v12, $0x188000;
	v2 =	vor.u32 $0x188000, v13  }
0xa0: {  	[tilespmem:s12+$0x40] =	vst v6;
	v6 =	vsel vm0, v12, v2;
	v8 =	vsub.s32 v9, v1;
	v2 =	vand.u32 $0x1FFF, v9;
	v5 =	vld [tilespmem:s12+$0xD0]  }
0xa1: {  	[tilespmem:s12+$0x50] =	vst v11;
	vm0 =	vlt.u32 v8, $0x188000;
	v11 =	vor.u32 $0x188000, v2;
	v9 =	vsub.s32 v14, v1;
	v2 =	vld [tilespmem:s12+$0xE0]  }
0xa2: {  	s13 =	sadd.s32 $0x400, s13;
	[tilespmem:s12+$0x60] =	vst v10;
	v8 =	vsel vm0, v8, v11;
	vm0 =	vlt.u32 v9, $0x188000;
	v10 =	vand.u32 $0x1FFF, v14  }
0xa3: {  	[tilespmem:s12+$0x70] =	vst v3;
	v3 =	vor.u32 $0x188000, v10;
	v10 =	vsub.s32 v4, v1;
	v4 =	vand.u32 $0x1FFF, v4;
	v11 =	vld [tilespmem:s12+$0xF0]  }
0xa4: {  	[tilespmem:s12+$0x80] =	vst v7;
	v3 =	vsel vm0, v9, v3;
	vm0 =	vlt.u32 v10, $0x188000;
	v4 =	vor.u32 $0x188000, v4  }
0xa5: {  	[tilespmem:s12+$0x90] =	vst v6;
	v4 =	vsel vm0, v10, v4;
	v6 =	vsub.s32 v5, v1;
	v5 =	vand.u32 $0x1FFF, v5  }
0xa6: {  	[tilespmem:s12+$0xA0] =	vst v8;
	vm0 =	vlt.u32 v6, $0x188000;
	v5 =	vor.u32 $0x188000, v5;
	v7 =	vsub.s32 v2, v1  }
0xa7: {  	[tilespmem:s12+$0xB0] =	vst v3;
	v2 =	vand.u32 $0x1FFF, v2;
	v3 =	vsel vm0, v6, v5;
	vm0 =	vlt.u32 v7, $0x188000  }
0xa8: {  	[tilespmem:s12+$0xC0] =	vst v4;
	v2 =	vor.u32 $0x188000, v2;
	v4 =	vsub.s32 v11, v1;
	v5 =	vand.u32 $0x1FFF, v11  }
0xa9: {  	[tilespmem:s12+$0xD0] =	vst v3;
	v2 =	vsel vm0, v7, v2;
	vm0 =	vlt.u32 v4, $0x188000;
	v3 =	vor.u32 $0x188000, v5  }
0xaa: {  	p0 =	seq.s32 s11, $0x0;
	[tilespmem:s12+$0xE0] =	vst v2;
	v2 =	vsel vm0, v4, v3  }
0xab: {  	[tilespmem:s12+$0xF0] =	vst v2;
	s12 =	simm.s32 @!p0 $0x4  }
0xac: {  	_ =	swait.ge @!p0 [sflag:s12], $0x1C00  }
0xad: {  	[sflag:s12] =	ssyncset.done @!p0 $0x0  }
0xae: {  	s13 =	simm.s32 $0x0;
	[sflag:s12] =	ssyncadd.s32 @!p0 $0xFFFFE400;
	s12 =	smul.u32 $0x38000, s11  }
0xaf: {  	[spmem:s3] =	stream.indirect.scatter.add.f32 [tilespmem:s29], [sflag:$0x3], $0x1, s13, s0, $0xb8;
	[tilespmem:$0x1FA00] =	vst v63  }
0xb0: {  	s14 =	sadd.s32 s12, s23  }
0xb1: {  	s14 =	sshrl.u32 s14, $0x3  }
0xb2: {  	s15 =	sadd.s32 s7, s14  }
0xb3: {  	[tilespmem:s0], [sflag:$0x2] =	stream.linear.gather [hbm4b:s15+s13], $0x1C00, $0x38;
	[tilespmem:$0x1FA00] =	vst v63  }
0xb4: {  	s14 =	sadd.s32 s8, s14  }
0xb5: {  	[tilespmem:s25], [sflag:$0x2] =	stream.linear.gather [hbm4b:s14+s13], $0x1C00, $0x38;
	[tilespmem:$0x1FA00] =	vst v63  }
0xb6: {  	_ =	swait.ge [sflag:s1], $0x1C00  }
0xb7: {  	[sflag:s1] =	ssyncset.done $0x0  }
0xb8: {  	[sflag:s1] =	ssyncadd.s32 $0xFFFFE400  }
0xb9: {  	_ =	swait.ge [sflag:s1], $0x1C00  }
0xba: {  	[sflag:s1] =	ssyncset.done $0x0  }
0xbb: {  	s13 =	simm.s32 $0x0;
	[sflag:s1] =	ssyncadd.s32 $0xFFFFE400  }
0xbc: {  	v2 =	vld [tilespmem:s13+$0x1C00]  }
0xbd: {  	v4 =	vld [tilespmem:s13+$0x1C20]  }
0xbe: {  	v6 =	vld [tilespmem:s13+$0x1C30];
	_ =	sdelay $0x1  }
0xbf: {  	v3 =	vld [tilespmem:s13+$0x1C10]  }
0xc0: {  	v9 =	vld [tilespmem:s13+$0x1C50]  }
0xc1: {  	v5 =	vsub.s32 v2, v1;
	v2 =	vand.u32 $0x1FFF, v2  }
0xc2: {  	v8 =	vsub.s32 v4, v1;
	v4 =	vand.u32 $0x1FFF, v4;
	v10 =	vsub.s32 v6, v1  }
0xc3: {  	v7 =	vld [tilespmem:s13+$0x1C40];
	v6 =	vand.u32 $0x1FFF, v6;
	vm0 =	vlt.u32 v5, $0x188000;
	v2 =	vor.u32 $0x188000, v2  }
0xc4: {  	v2 =	vsel vm0, v5, v2;
	v5 =	vsub.s32 v3, v1;
	v3 =	vand.u32 $0x1FFF, v3  }
0xc5: {  	v13 =	vsub.s32 v9, v1;
	vm0 =	vlt.u32 v5, $0x188000;
	v3 =	vor.u32 $0x188000, v3  }
0xc6: {  	v4 =	vor.u32 $0x188000, v4;
	v3 =	vsel vm0, v5, v3;
	vm0 =	vlt.u32 v8, $0x188000;
	v5 =	vld [tilespmem:s13+$0x1C60]  }
0xc7: {  	v6 =	vor.u32 $0x188000, v6;
	v4 =	vsel vm0, v8, v4;
	vm0 =	vlt.u32 v10, $0x188000  }
0xc8: {  	v11 =	vld [tilespmem:s13+$0x1C70];
	v6 =	vsel vm0, v10, v6;
	v10 =	vsub.s32 v7, v1;
	v7 =	vand.u32 $0x1FFF, v7  }
0xc9: {  	v12 =	vld [tilespmem:s13+$0x1C90];
	v9 =	vand.u32 $0x1FFF, v9;
	vm0 =	vlt.u32 v10, $0x188000;
	v7 =	vor.u32 $0x188000, v7  }
0xca: {  	[tilespmem:s13+$0x1C00] =	vst v2;
	v2 =	vor.u32 $0x188000, v9;
	v8 =	vld [tilespmem:s13+$0x1C80];
	v7 =	vsel vm0, v10, v7  }
0xcb: {  	vm0 =	vlt.u32 v13, $0x188000;
	v9 =	vsub.s32 v5, v1;
	v5 =	vand.u32 $0x1FFF, v5  }
0xcc: {  	v2 =	vsel vm0, v13, v2;
	vm0 =	vlt.u32 v9, $0x188000;
	v5 =	vor.u32 $0x188000, v5  }
0xcd: {  	v14 =	vld [tilespmem:s13+$0x1CA0];
	[tilespmem:s13+$0x1C10] =	vst v3;
	v3 =	vsub.s32 v11, v1;
	v63 =	vsel vm0, v9, v5;
	v5 =	vand.u32 $0x1FFF, v11  }
0xce: {  	[tilespmem:s13+$0x1C30] =	vst v6;
	v6 =	vsub.s32 v12, v1;
	v10 =	vld [tilespmem:s13+$0x1CB0];
	vm0 =	vlt.u32 v3, $0x188000;
	v5 =	vor.u32 $0x188000, v5  }
0xcf: {  	v9 =	vsub.s32 v8, v1;
	v3 =	vsel vm0, v3, v5;
	v5 =	vand.u32 $0x1FFF, v8  }
0xd0: {  	[tilespmem:s13+$0x1C20] =	vst v4;
	v4 =	vld [tilespmem:s13+$0x1CC0];
	vm0 =	vlt.u32 v9, $0x188000;
	v8 =	vand.u32 $0x1FFF, v12;
	v5 =	vor.u32 $0x188000, v5  }
0xd1: {  	[tilespmem:s13+$0x1C40] =	vst v7;
	v8 =	vor.u32 $0x188000, v8;
	v7 =	vsel vm0, v9, v5;
	vm0 =	vlt.u32 v6, $0x188000  }
0xd2: {  	v5 =	vld [tilespmem:s13+$0x1CD0];
	v9 =	vand.u32 $0x1FFF, v14;
	v6 =	vsel vm0, v6, v8;
	v8 =	vsub.s32 v14, v1  }
0xd3: {  	[tilespmem:s13+$0x1C50] =	vst v2;
	v2 =	vld [tilespmem:s13+$0x1CE0];
	v11 =	vor.u32 $0x188000, v9;
	v9 =	vsub.s32 v10, v1;
	vm0 =	vlt.u32 v8, $0x188000  }
0xd4: {  	s14 =	simm.s32 $0x400;
	[tilespmem:s13+$0x1C60] =	vst v63;
	v10 =	vand.u32 $0x1FFF, v10;
	v8 =	vsel vm0, v8, v11;
	vm0 =	vlt.u32 v9, $0x188000  }
.LBB2_8:
0xd5: {  	p0 =	sne.s32 s14, $0x6C00;
	[tilespmem:s13+$0x1C70] =	vst v3;
	v3 =	vor.u32 $0x188000, v10;
	v10 =	vsub.s32 v4, v1;
	v4 =	vand.u32 $0x1FFF, v4;
	v11 =	vld [tilespmem:s13+$0x1CF0]  }
0xd6: {  	s15 =	sshra.s32 s14, $0x2;
	[tilespmem:s13+$0x1C80] =	vst v7;
	v3 =	vsel vm0, v9, v3;
	vm0 =	vlt.u32 v10, $0x188000;
	v4 =	vor.u32 $0x188000, v4  }
0xd7: {  	v7 =	vld [tilespmem:s15+$0x1C00];
	[tilespmem:s13+$0x1C90] =	vst v6;
	v4 =	vsel vm0, v10, v4;
	v6 =	vsub.s32 v5, v1;
	v5 =	vand.u32 $0x1FFF, v5  }
0xd8: {  	[tilespmem:s13+$0x1CA0] =	vst v8;
	vm0 =	vlt.u32 v6, $0x188000;
	v5 =	vor.u32 $0x188000, v5;
	v8 =	vsub.s32 v2, v1  }
0xd9: {  	v2 =	vand.u32 $0x1FFF, v2;
	v9 =	vld [tilespmem:s15+$0x1C10];
	[tilespmem:s13+$0x1CB0] =	vst v3;
	v3 =	vsel vm0, v6, v5;
	vm0 =	vlt.u32 v8, $0x188000  }
0xda: {  	v2 =	vor.u32 $0x188000, v2;
	v5 =	vld [tilespmem:s15+$0x1C20];
	[tilespmem:s13+$0x1CC0] =	vst v4;
	v4 =	vsub.s32 v11, v1;
	v6 =	vand.u32 $0x1FFF, v11  }
0xdb: {  	v2 =	vsel vm0, v8, v2;
	[tilespmem:s13+$0x1CD0] =	vst v3;
	vm0 =	vlt.u32 v4, $0x188000;
	v3 =	vor.u32 $0x188000, v6  }
0xdc: {  	v6 =	vsub.s32 v7, v1;
	v7 =	vand.u32 $0x1FFF, v7;
	v8 =	vld [tilespmem:s15+$0x1C30];
	[tilespmem:s13+$0x1CE0] =	vst v2;
	v2 =	vsel vm0, v4, v3  }
0xdd: {  	vm0 =	vlt.u32 v6, $0x188000;
	v3 =	vor.u32 $0x188000, v7;
	[tilespmem:s13+$0x1CF0] =	vst v2;
	s13 =	smov.u32 s15  }
0xde: {  	v2 =	vsel vm0, v6, v3;
	v3 =	vsub.s32 v9, v1;
	v4 =	vand.u32 $0x1FFF, v9;
	v6 =	vld [tilespmem:s13+$0x1C40]  }
0xdf: {  	vm0 =	vlt.u32 v3, $0x188000;
	v4 =	vor.u32 $0x188000, v4;
	v7 =	vsub.s32 v5, v1;
	v9 =	vld [tilespmem:s13+$0x1C50]  }
0xe0: {  	v3 =	vsel vm0, v3, v4;
	vm0 =	vlt.u32 v7, $0x188000;
	v4 =	vand.u32 $0x1FFF, v5  }
0xe1: {  	v4 =	vor.u32 $0x188000, v4;
	v5 =	vsub.s32 v8, v1;
	v8 =	vand.u32 $0x1FFF, v8;
	v10 =	vld [tilespmem:s13+$0x1C60]  }
0xe2: {  	v4 =	vsel vm0, v7, v4;
	vm0 =	vlt.u32 v5, $0x188000;
	v7 =	vor.u32 $0x188000, v8  }
0xe3: {  	v5 =	vsel vm0, v5, v7;
	v7 =	vsub.s32 v6, v1;
	v6 =	vand.u32 $0x1FFF, v6;
	v8 =	vld [tilespmem:s13+$0x1C70]  }
0xe4: {  	vm0 =	vlt.u32 v7, $0x188000;
	v6 =	vor.u32 $0x188000, v6;
	v11 =	vsub.s32 v9, v1;
	v12 =	vld [tilespmem:s13+$0x1C80]  }
0xe5: {  	v6 =	vsel vm0, v7, v6;
	vm0 =	vlt.u32 v11, $0x188000;
	v7 =	vand.u32 $0x1FFF, v9  }
0xe6: {  	v7 =	vor.u32 $0x188000, v7;
	v9 =	vsub.s32 v10, v1;
	v10 =	vand.u32 $0x1FFF, v10;
	v13 =	vld [tilespmem:s13+$0x1C90]  }
0xe7: {  	v11 =	vsel vm0, v11, v7;
	vm0 =	vlt.u32 v9, $0x188000;
	v7 =	vor.u32 $0x188000, v10  }
0xe8: {  	v10 =	vsel vm0, v9, v7;
	v7 =	vsub.s32 v8, v1;
	v8 =	vand.u32 $0x1FFF, v8;
	v9 =	vld [tilespmem:s13+$0x1CA0]  }
0xe9: {  	[tilespmem:s13+$0x1C00] =	vst v2;
	vm0 =	vlt.u32 v7, $0x188000;
	v2 =	vor.u32 $0x188000, v8;
	v8 =	vsub.s32 v12, v1;
	v14 =	vld [tilespmem:s13+$0x1CB0]  }
0xea: {  	[tilespmem:s13+$0x1C10] =	vst v3;
	v3 =	vsel vm0, v7, v2;
	vm0 =	vlt.u32 v8, $0x188000;
	v2 =	vand.u32 $0x1FFF, v12  }
.Ltmp6:
0xeb: {  	[tilespmem:s13+$0x1C20] =	vst v4;
	v2 =	vor.u32 $0x188000, v2;
	v12 =	vsub.s32 v13, v1;
	v13 =	vand.u32 $0x1FFF, v13;
	v4 =	vld [tilespmem:s13+$0x1CC0];
	(pc) =	sbr.rel @p0 .LBB2_8-.Ltmp6, $4  }
0xec: {  	[tilespmem:s13+$0x1C30] =	vst v5;
	v7 =	vsel vm0, v8, v2;
	vm0 =	vlt.u32 v12, $0x188000;
	v2 =	vor.u32 $0x188000, v13  }
0xed: {  	[tilespmem:s13+$0x1C40] =	vst v6;
	v6 =	vsel vm0, v12, v2;
	v8 =	vsub.s32 v9, v1;
	v2 =	vand.u32 $0x1FFF, v9;
	v5 =	vld [tilespmem:s13+$0x1CD0]  }
0xee: {  	[tilespmem:s13+$0x1C50] =	vst v11;
	vm0 =	vlt.u32 v8, $0x188000;
	v11 =	vor.u32 $0x188000, v2;
	v9 =	vsub.s32 v14, v1;
	v2 =	vld [tilespmem:s13+$0x1CE0]  }
0xef: {  	s14 =	sadd.s32 $0x400, s14;
	[tilespmem:s13+$0x1C60] =	vst v10;
	v8 =	vsel vm0, v8, v11;
	vm0 =	vlt.u32 v9, $0x188000;
	v10 =	vand.u32 $0x1FFF, v14  }
0xf0: {  	[tilespmem:s13+$0x1C70] =	vst v3;
	v3 =	vor.u32 $0x188000, v10;
	v57 =	vsub.s32 v4, v1;
	v58 =	vand.u32 $0x1FFF, v4;
	v11 =	vld [tilespmem:s13+$0x1CF0]  }
0xf1: {  	[tilespmem:s13+$0x1C80] =	vst v7;
	v3 =	vsel vm0, v9, v3;
	vm12 =	vlt.u32 v57, $0x188000;
	v4 =	vor.u32 $0x188000, v58  }
0xf2: {  	[tilespmem:s13+$0x1C90] =	vst v6;
	v4 =	vsel vm12, v57, v4;
	v59 =	vsub.s32 v5, v1;
	v60 =	vand.u32 $0x1FFF, v5  }
0xf3: {  	[tilespmem:s13+$0x1CA0] =	vst v8;
	vm13 =	vlt.u32 v59, $0x188000;
	v5 =	vor.u32 $0x188000, v60;
	v61 =	vsub.s32 v2, v1  }
0xf4: {  	[tilespmem:s13+$0x1CB0] =	vst v3;
	v2 =	vand.u32 $0x1FFF, v2;
	v3 =	vsel vm13, v59, v5;
	vm14 =	vlt.u32 v61, $0x188000  }
0xf5: {  	[tilespmem:s13+$0x1CC0] =	vst v4;
	v2 =	vor.u32 $0x188000, v2;
	v62 =	vsub.s32 v11, v1;
	v63 =	vand.u32 $0x1FFF, v11  }
0xf6: {  	[tilespmem:s13+$0x1CD0] =	vst v3;
	v2 =	vsel vm14, v61, v2;
	vm15 =	vlt.u32 v62, $0x188000;
	v3 =	vor.u32 $0x188000, v63  }
0xf7: {  	p0 =	seq.s32 s11, $0x29;
	[tilespmem:s13+$0x1CE0] =	vst v2;
	v2 =	vsel vm15, v62, v3  }
.Ltmp7:
0xf8: {  	[tilespmem:s13+$0x1CF0] =	vst v2;
	(pc) =	sbr.rel @p0 .LBB2_11-.Ltmp7, $4  }
0xf9: {  	_ =	swait.ge [sflag:s2], $0x1C00  }
0xfa: {  	[sflag:s2] =	ssyncset.done $0x0  }
0xfb: {  	[sflag:s2] =	ssyncadd.s32 $0xFFFFE400  }
0xfc: {  	[spmem:s3] =	stream.indirect.scatter.add.f32 [tilespmem:s25], [sflag:$0x4], $0x1, s0, s0, $0xb8;
	[tilespmem:$0x1FA00] =	vst v63  }
0xfd: {  	s12 =	sadd.s32 s12, s24  }
.Ltmp8:
0xfe: {  	s12 =	sshrl.u32 s12, $0x3;
	(pc) =	sbr.rel .LBB2_5-.Ltmp8, $4  }
0xff: {  	s13 =	sadd.s32 s7, s12  }
0x100: {  	[tilespmem:s4], [sflag:$0x1] =	stream.linear.gather [hbm4b:s13+s4], $0x1C00, $0x38;
	[tilespmem:$0x1FA00] =	vst v63  }
0x101: {  	s11 =	sadd.s32 $0x1, s11;
	s12 =	sadd.s32 s8, s12  }
0x102: {  	[tilespmem:s29], [sflag:$0x1] =	stream.linear.gather [hbm4b:s12+s4], $0x1C00, $0x38;
	[tilespmem:$0x1FA00] =	vst v63  }
.LBB2_13:
0x103: {  	_ =	sfence.sel $0x180000  }
0x104: {  	[bflag:$0x0] =	sbarrier.arrive $0xFFFF  }
0x105: {  	_ =	strace $0x90000047  }
0x106: {  	s0 =	stileid.u32;
	[bflag:$0x2] =	sbarrier.arrive $0xFFFF  }
0x107: {  	p0 =	sne.s32 s0, $0x0;
	s0 =	rddreg [dreg:$0x3]  }
0x108: {  	s0 =	sadd.s32 @!p0 $0x100000, s0  }
0x109: {  	[sflag:s0] =	ssyncadd.tile.s32 @!p0 $0x1;
	_ =	shalt  }
.Lfunc_end2:
_tile_overlayer_lowered:
.L_overlay_start_2:
0x10a: {  	(tag) =	ssettag $0x2  }
0x10b: {  	s0 =	rddreg [dreg:$0x0];
	s2 =	stileid.u32  }
0x10c: {  	s1 =	rddreg [dreg:$0x1];
	p0 =	sne.s32 s2, $0x0  }
0x10d: {  	s3 =	rddreg [dreg:$0x2];
	[bflag:$0x3] =	sbarrier.arrive $0xFFFF;
	s2 =	simm.s32 @!p0 $0x1C05  }
0x10e: {  	[timem:s3], [sflag:s2] =	dma.local @!p0 [hbm:s0], s1  }
0x10f: {  	s0 =	simm.s32 @!p0 $0x5  }
0x110: {  	_ =	swait.ge @!p0 [sflag:s0], s1  }
0x111: {  	s1 =	ssub.s32 @!p0 $0x0, s1;
	[sflag:s0] =	ssyncset.done @!p0 $0x0  }
0x112: {  	[sflag:s0] =	ssyncadd.s32 @!p0 s1  }
0x113: {  	[bflag:$0x3] =	sbarrier.arrive $0xFFFF  }
0x114: {  	_ =	shalt  }

// kernel: sparse-core-data-format-call.cloned.1.call-start
scs
called_computation_lowered:
.L_overlay_start_0:
0x0: {  	s2 =	sld [smem:$0x3FD9]  }
0x1: {  	s3 =	sld [smem:$0x3FFE];
	_ =	sdelay $0x1  }
0x2: {  	s1 =	srdreg.scid  }
0x3: {  	s0 =	sand.u32 $0x1, s1  }
0x4: {  	s18 =	sshll.u32 s0, $0xA;
	s2 =	sadd.s32 s3, s2  }
0x5: {  	s2 =	sadd.s32 s2, s18  }
0x6: {  	[smem:$0x3FC6] =	sst s2  }
0x7: {  	_ = 	snop  }
0x8: {  	s2 =	sld [smem:$0x3FD0];
	(tm) =	ssettm $0x1  }
0x9: {  	s19 =	sld [smem:$0x3FFB];
	_ =	sdelay $0x3  }
0xa: {  	_ =	strace s19  }
0xb: {  	s3 =	sld [smem:$0x3FFC];
	_ =	sdelay $0x3  }
0xc: {  	_ =	strace s3  }
0xd: {  	s3 =	sld [smem:$0x3FFD];
	_ =	sdelay $0x3  }
0xe: {  	_ =	strace s3  }
0xf: {  	_ =	strace $0x8FFFFFFF  }
0x10: {  	s20 =	sld [smem:$0x3FDB];
	_ =	sdelay $0x1  }
0x11: {  	s4 =	simm.s32 $_scs_section_size  }
0x12: {  	s5 =	simm.s32 $_size__tile_overlayer_lowered;
	s6 =	simm.s32 $_tile_overlayer_lowered  }
0x13: {  	s23 =	simm.s32 $0x1BFF;
	s22 =	sshll.u32 s6, $0x1;
	s3 =	sadd.s32 s4, s20  }
0x14: {  	s7 =	simm.s32 $0x0;
	s21 =	sshll.u32 s5, $0x1;
	s5 =	sadd.s32 s22, s3  }
0x15: {  	[timem:s7], [sflag:s23] =	dma.local [hbm:s5], s21  }
0x16: {  	_ =	swait.ge [sflag:s23], s21  }
0x17: {  	s4 =	ssub.s32 $0x0, s21;
	[sflag:s23] =	ssyncset.done $0x0  }
0x18: {  	[sflag:s23] =	ssyncadd.s32 s4;
	_ =	sdelay $0x1  }
0x19: {  	s24 =	simm.s32 $0x1B8B  }
0x1a: {  	_ =	swait.ge [sflag:s24], $0x1  }
0x1b: {  	[sflag:s24] =	ssyncset.done $0x0  }
0x1c: {  	s26 =	simm.s32 $0x1B8E;
	s25 =	sld [smem:$0x3FFE];
	[sflag:s24] =	ssyncadd.s32 $0xFFFFFFFF  }
0x1d: {  	s27 =	simm.s32 $execute0_lowered;
	[smem:$0x3FD2] =	sst s26  }
0x1e: {  	s5 =	sshll.u32 s27, $0x1;
	_ =	strace $0x80000049;
	[dreg:$0x1] =	wrdreg $0xFFFFFFFF  }
0x1f: {  	s28 =	simm.s32 $_size_execute0_lowered;
	s3 =	sadd.s32 s3, s5;
	[dreg:$0x0] =	wrdreg $0x0  }
0x20: {  	s5 =	sshll.u32 s28, $0x1;
	[dreg:$0x2] =	wrdreg s3  }
0x21: {  	[dreg:$0x3] =	wrdreg s5  }
0x22: {  	[dreg:$0x4] =	wrdreg $0xC0  }
0x23: {  	_ =	task [dreg:s7], $0x5FFFF  }
0x24: {  	[dreg:$0x1] =	wrdreg $0xFFFFFFFF  }
0x25: {  	[dreg:$0x0] =	wrdreg $0x60  }
0x26: {  	[dreg:$0x2] =	wrdreg s25  }
0x27: {  	[dreg:$0x3] =	wrdreg s2  }
0x28: {  	[dreg:$0x4] =	wrdreg $0x9  }
0x29: {  	_ =	task.clear_ibuf [dreg:s7], $0x5FFFF;
	_ =	strace $0x90000049  }
0x2a: {  	s29 =	simm.s32 $0x9;
	_ =	strace $0x8000004B  }
0x2b: {  	_ =	swait.ge [sflag:s29], $0x1  }
0x2c: {  	[sflag:s29] =	ssyncadd.s32 $0xFFFFFFFF  }
0x2d: {  	_ =	strace $0x9000004B  }
0x2e: {  	_ =	sfence  }
0x2f: {  	s30 =	sld [smem:$0x0];
	_ =	sdelay $0x2  }
0x30: {  	s31 =	sshll.u32 s1, $0xD;
	s1 =	sshrl.u32 s1, $0x2  }
0x31: {  	s3 =	sand.u32 $0x4000, s31;
	s1 =	sadd.s32 s1, s30  }
0x32: {  	s0 =	sor.u32 s3, s0;
	s1 =	sshll.u32 s1, $0x11  }
0x33: {  	s0 =	sor.u32 s1, s0  }
0x34: {  	s0 =	sadd.s32 $0x8F2B, s0  }
0x35: {  	[sflag:s0] =	ssyncadd.remote.s32 $0x1  }
0x36: {  	_ =	sfence.sel $0xFFFF  }
0x37: {  	[dreg:$0x0] =	wrdreg $0xFFFFFFFF;
	(pc) =	sbr.abs _section_cstart, $3  }
0x38: {  	[dreg:$0x1] =	wrdreg $0xFFFFFFFF  }
0x39: {  	_ =	task.clear_ibuf [dreg:s7], $0x2FFFF;
	_ =	strace $0x9FFFFFFF  }
0x3a: {  	(tm) =	ssettm $0x7FFFFFFF  }
0x3b: {  	_ =	shalt  }
tec
execute0_lowered:
.L_overlay_start_1:
0x0: {  	(tag) =	ssettag $0x1  }
0x1: {  	s0 =	rddreg [dreg:$0x0]  }
0x2: {  	s1 =	srdreg.scid;
	_ =	strace $0x8000004A;
	s2 =	stileid.u32  }
0x3: {  	s30 =	simm.s32 $0x1;
	s31 =	simm.s32 $0x2;
	s15 =	simm.s32 $0x0  }
0x4: {  	s16 =	simm.s32 $0x0;
	s17 =	simm.s32 $0x0;
	s8 =	simm.s32 $0x0  }
0x5: {  	s10 =	simm.s32 $0x0;
	s12 =	simm.s32 $0x0;
	s11 =	simm.s32 $0x0  }
.Ltmp0:
0x6: {  	s9 =	simm.s32 $0x0;
	s29 =	sshll.u32 s1, $0x4;
	(pc) =	sbr.rel .LBB1_1-.Ltmp0, $4  }
0x7: {  	s6 =	sadd.s32 $0x800, s0;
	[sflag:s30] =	ssyncpa.u1 $0x0;
	s0 =	sand.u32 $0x10, s29  }
0x8: {  	s7 =	sand.u32 $0x7, s2;
	[dreg:$0x3] =	wrdreg s6;
	s0 =	sor.u32 s2, s0  }
0x9: {  	[sflag:s31] =	ssyncpa.u1 $0x0;
	[dreg:$0x4] =	wrdreg s7;
	s22 =	sshrl.u32 s0, $0x3  }
0xa: {  	s14 =	smov.u32 s7;
	s13 =	smov.u32 s22;
	[dreg:$0x5] =	wrdreg s22  }
.LBB1_9:
0xb: {  	p0 =	sgt.s32 s8, $0x80;
	s3 =	smul.u32 $0xA8000, s12  }
0xc: {  	s0 =	smov.u32 s8;
	s1 =	sshrl.u32 s8, $0x5;
	s27 =	smul.u32 $0xC00, s10  }
0xd: {  	s4 =	sshrl.u32 s8, $0x3;
	s5 =	rddreg [dreg:$0x1];
	s0 =	simm.s32 @!p0 $0x80  }
0xe: {  	s28 =	sand.u32 $0x7, s8;
	s1 =	sand.u32 $0xFFFFFC, s1;
	s0 =	sadd.s32 s19, s0  }
0xf: {  	s29 =	rddreg [dreg:$0x6];
	s26 =	smulhi.u32 $0x2AAAAAB, s1;
	s2 =	sadd.s32 $0xFFFFFF80, s0  }
0x10: {  	s6 =	rddreg [dreg:$0x3];
	s0 =	ssub.s32 $0x100, s0;
	p0 =	sgt.s32 s2, $0x7F  }
0x11: {  	s7 =	rddreg [dreg:$0x4];
	s2 =	smul.u32 $0x60, s26;
	s0 =	simm.s32 @p0 $0x0  }
0x12: {  	s31 =	simm.s32 $0x800;
	s22 =	rddreg [dreg:$0x5];
	s0 =	smul.u32 s0, s18  }
0x13: {  	s4 =	sand.u32 $0xF, s4;
	s3 =	sadd.s32 s5, s3;
	s1 =	ssub.s32 s1, s2  }
0x14: {  	s2 =	sadd.s32 s27, s3;
	s3 =	sshll.u32 s28, $0x12;
	s0 =	smul.u32 $0x60, s0  }
0x15: {  	s1 =	sshll.u32 s1, $0x5;
	s2 =	sadd.s32 s4, s2;
	s4 =	sor.u32 $0x8000, s29  }
0x16: {  	s30 =	sor.u32 $0x400, s3;
	s1 =	sadd.s32 s1, s2;
	s0 =	sand.u32 $0x3FFFFFE0, s0  }
0x17: {  	[hbm4b:s1+s30] =	stream.strided.scatter [tilespmem:s4], [sflag:$0x2], s0, s31, s30, $0x20;
	[tilespmem:$0x10100] =	vst v63  }
.LBB1_10:
0x18: {  	p0 =	slt.u32 s9, $0x2  }
0x19: {  	p1 =	sgt.s32 @!p0 s17, $0x7  }
0x1a: {  	s0 =	smov.u32 s17;
	s1 =	sshra.s32 @!p0 s17, $0x1F;
	p1 =	por !p1, p0  }
0x1b: {  	s2 =	smov.u32 s16;
	s1 =	sand.u32 @!p0 s1, s17;
	s0 =	simm.s32 @p1 $0x7  }
0x1c: {  	s3 =	sshra.s32 @!p0 s16, $0x1F;
	p1 =	sgt.s32 @!p0 s16, $0xDF;
	s0 =	ssub.s32 @!p0 s0, s1  }
0x1d: {  	s4 =	sshra.s32 @!p0 s15, $0x1F;
	p2 =	por !p1, p0;
	s1 =	sadd.s32 @!p0 $0xFFFFFFF9, s0  }
0x1e: {  	s2 =	simm.s32 @p2 $0xDF;
	p1 =	sgt.s32 @!p0 s1, $0x0;
	s1 =	sand.u32 @!p0 s3, s16  }
0x1f: {  	s0 =	ssub.s32 @!p0 $0x8, s0;
	p2 =	sgt.s32 @!p0 s15, $0x80;
	s1 =	ssub.s32 @!p0 s2, s1  }
0x20: {  	p2 =	por !p2, p0;
	s3 =	smov.u32 s15;
	s2 =	sadd.s32 @!p0 $0xFFFFFF21, s1  }
0x21: {  	s3 =	simm.s32 @p2 $0x80;
	p2 =	sgt.s32 @!p0 s2, $0x0;
	s2 =	sand.u32 @!p0 s4, s15  }
0x22: {  	s0 =	smul.u32 @!p0 $0x60, s0;
	p1 =	por !p1, p0;
	s2 =	ssub.s32 @!p0 s3, s2  }
0x23: {  	s1 =	ssub.s32 @!p0 $0xE0, s1;
	p2 =	por !p2, p0;
	s3 =	sadd.s32 @!p0 $0xFFFFFF80, s2  }
0x24: {  	s0 =	simm.s32 @!p1 $0x0;
	s1 =	simm.s32 @!p2 $0x0;
	p2 =	sgt.s32 @!p0 s3, $0x7F  }
0x25: {  	s2 =	ssub.s32 @!p0 $0x100, s2;
	s0 =	smul.u32 @!p0 s1, s0;
	p1 =	por !p2, p0  }
0x26: {  	s1 =	sadd.s32 $0x80, s11;
	s3 =	smov.u32 s13;
	s2 =	simm.s32 @!p1 $0x0  }
0x27: {  	p1 =	sgt.s32 s1, $0xDF;
	s0 =	smul.u32 @!p0 s2, s0;
	s2 =	sadd.s32 $0x4, s13  }
0x28: {  	s3 =	smov.u32 @p1 s2  }
0x29: {  	s5 =	smov.u32 s14;
	s2 =	sadd.s32 $0x8, s14;
	p2 =	sgt.s32 s3, $0xDF  }
0x2a: {  	s9 =	sadd.s32 $0x1, s9;
	s5 =	smov.u32 @p2 s2  }
0x2b: {  	s17 =	smov.u32 s12;
	s1 =	simm.s32 @p1 $0x0;
	p1 =	sgt.s32 s5, $0x7  }
0x2c: {  	s12 =	smov.u32 s14;
	s5 =	smov.u32 @p1 s7;
	p1 =	sne.s32 s9, $0x72  }
.Ltmp1:
0x2d: {  	s16 =	smov.u32 s10;
	s10 =	smov.u32 s13;
	(pc) =	sbr.rel @!p1 .LBB1_11-.Ltmp1, $4  }
0x2e: {  	s4 =	simm.s32 @!p0 $0x2;
	s15 =	smov.u32 s8;
	s0 =	sand.u32 @!p0 $0x3FFFFFE0, s0  }
0x2f: {  	s8 =	smov.u32 s11;
	s11 =	smov.u32 s1;
	_ =	swait.ge @!p0 [sflag:s4], s0  }
0x30: {  	s0 =	ssub.s32 @!p0 $0x0, s0;
	s3 =	smov.u32 @p2 s22;
	[sflag:s4] =	ssyncset.done @!p0 $0x0  }
0x31: {  	s13 =	smov.u32 s3;
	[sflag:s4] =	ssyncadd.s32 @!p0 s0;
	s14 =	smov.u32 s5  }
.LBB1_1:
0x32: {  	p0 =	sgt.u32 s9, $0x6F;
	s18 =	smov.u32 s14  }
0x33: {  	s0 =	sand.u32 @!p0 $0x1FFFFFF, s11;
	p1 =	sgt.s32 @!p0 s14, $0x7;
	s19 =	sshra.s32 @!p0 s14, $0x1F  }
0x34: {  	s20 =	sshra.s32 @!p0 s13, $0x1F;
	s1 =	smulhi.u32 @!p0 $0x2492493, s0;
	p1 =	por !p1, p0  }
0x35: {  	s19 =	sand.u32 @!p0 s19, s14;
	s20 =	sand.u32 @!p0 s20, s13;
	s18 =	simm.s32 @p1 $0x7  }
0x36: {  	p1 =	sgt.s32 @!p0 s13, $0xDF;
	s1 =	sshrl.u32 @!p0 s1, $0x1;
	s18 =	ssub.s32 @!p0 s18, s19  }
0x37: {  	p1 =	por !p1, p0;
	s19 =	smov.u32 s13;
	s1 =	smul.u32 @!p0 $0xE0, s1  }
0x38: {  	s19 =	simm.s32 @p1 $0xDF;
	p1 =	sgt.s32 @!p0 s11, $0x60;
	s18 =	sadd.s32 @!p0 $0xFFFFFFF9, s18  }
0x39: {  	s19 =	ssub.s32 @!p0 s19, s20;
	p1 =	por !p1, p0;
	s20 =	smov.u32 s11  }
0x3a: {  	p2 =	sgt.s32 @!p0 s18, $0x0;
	s18 =	sshll.u32 @!p0 s18, $0x7;
	s21 =	sadd.s32 @!p0 $0xFFFFFF21, s19  }
0x3b: {  	s20 =	simm.s32 @p1 $0x60;
	p1 =	sgt.s32 @!p0 s21, $0x0;
	s21 =	sshra.s32 @!p0 s11, $0x1F  }
0x3c: {  	s19 =	ssub.s32 @!p0 $0xE0, s19;
	s18 =	ssub.s32 @!p0 $0x80, s18;
	s21 =	sand.u32 @!p0 s21, s11  }
0x3d: {  	p2 =	por !p2, p0;
	p1 =	por !p1, p0;
	s20 =	ssub.s32 @!p0 s20, s21  }
0x3e: {  	s18 =	simm.s32 @!p2 $0x0;
	s19 =	simm.s32 @!p1 $0x0;
	s21 =	sadd.s32 @!p0 $0xFFFFFFA0, s20  }
0x3f: {  	s0 =	ssub.s32 @!p0 s0, s1;
	s18 =	smul.u32 @!p0 s19, s18;
	p1 =	sgt.s32 @!p0 s21, $0x7F  }
0x40: {  	s19 =	ssub.s32 @!p0 $0xE0, s20;
	s20 =	smul.u32 @!p0 $0xC4000, s14;
	p1 =	por !p1, p0  }
0x41: {  	s1 =	smul.u32 @!p0 $0xE00, s13;
	s21 =	sxor.u32 @!p0 $0xFFFFFFFF, s9;
	s19 =	simm.s32 @!p1 $0x0  }
0x42: {  	s21 =	sshll.u32 @!p0 s21, $0xE;
	s18 =	smul.u32 @!p0 s19, s18;
	s19 =	sadd.s32 @!p0 s6, s20  }
0x43: {  	s0 =	sshll.u32 @!p0 s0, $0x4;
	s20 =	sand.u32 @!p0 $0x4000, s21;
	s1 =	sadd.s32 @!p0 s1, s19  }
0x44: {  	s18 =	sand.u32 @!p0 $0x3FFFFF80, s18;
	s0 =	sadd.s32 @!p0 s0, s1;
	s1 =	simm.s32 @!p0 $0x0  }
0x45: {  	[tilespmem:s20], [sflag:$0x1] =	stream.linear.gather @!p0 [hbm4b:s0+s1], s18, $0x38;
	[tilespmem:$0x10100] =	vst v63  }
0x46: {  	p0 =	seq.s32 s9, $0x0  }
0x47: {  	p1 =	seq.s32 @!p0 s9, $0x71  }
0x48: {  	p0 =	por p0, p1  }
.Ltmp2:
0x49: {  	_ = 	snop;
	(pc) =	sbr.rel @p0 .LBB1_10-.Ltmp2, $1  }
0x4a: {  	_ =	sdelay $0x3  }
0x4b: {  	p0 =	sgt.s32 s12, $0x7;
	s0 =	smov.u32 s12;
	s1 =	sshra.s32 s12, $0x1F  }
0x4c: {  	s18 =	sshra.s32 s10, $0x1F;
	s26 =	ssub.s32 $0x0, s8;
	s27 =	sshra.s32 s8, $0x1F  }
0x4d: {  	p1 =	sgt.s32 s8, $0x60;
	s20 =	smov.u32 s8;
	s0 =	simm.s32 @!p0 $0x7  }
0x4e: {  	s1 =	sand.u32 s1, s12;
	p0 =	sgt.s32 s10, $0xDF;
	s18 =	sand.u32 s18, s10  }
0x4f: {  	s20 =	simm.s32 @!p1 $0x60;
	s0 =	ssub.s32 s0, s1;
	s1 =	smov.u32 s10  }
0x50: {  	s19 =	sadd.s32 $0xFFFFFFF9, s0;
	s1 =	simm.s32 @!p0 $0xDF;
	s0 =	ssub.s32 $0x8, s0  }
0x51: {  	p0 =	sgt.s32 s19, $0x0;
	s1 =	ssub.s32 s1, s18;
	s19 =	sand.u32 s26, s27  }
0x52: {  	s21 =	sadd.s32 $0xFFFFFF21, s1;
	s1 =	ssub.s32 $0xE0, s1;
	s18 =	sadd.s32 s19, s20  }
0x53: {  	s0 =	simm.s32 @p0 $0x0;
	p1 =	sgt.s32 s21, $0x0;
	s20 =	sadd.s32 $0xFFFFFFA0, s18  }
0x54: {  	s1 =	simm.s32 @p1 $0x0;
	s28 =	sshll.u32 s20, $0x7;
	p0 =	sgt.s32 s20, $0x7F  }
0x55: {  	s18 =	smul.u32 s0, s1;
	s0 =	ssub.s32 $0x4000, s28;
	s1 =	sadd.s32 $0x1, s12  }
0x56: {  	s20 =	sadd.s32 $0x1, s10;
	s0 =	simm.s32 @p0 $0x0;
	p0 =	slt.s32 s1, $0x8  }
0x57: {  	s1 =	simm.s32 @!p0 $0x8;
	p0 =	slt.s32 s20, $0xE0  }
0x58: {  	s21 =	ssub.s32 s1, s12;
	s20 =	simm.s32 @!p0 $0xE0;
	s1 =	sadd.s32 $0x80, s8  }
0x59: {  	s22 =	ssub.s32 s20, s10;
	p1 =	slt.s32 s1, $0xE0;
	p0 =	slt.s32 s21, $0x1  }
0x5a: {  	s1 =	simm.s32 @!p1 $0xE0;
	p1 =	slt.s32 @!p0 s22, $0x1  }
0x5b: {  	s23 =	ssub.s32 s1, s8;
	p1 =	por p0, p1  }
0x5c: {  	p2 =	slt.s32 @!p1 s23, $0x1  }
0x5d: {  	s0 =	smul.u32 s18, s0;
	p1 =	por p1, p2  }
.Ltmp3:
0x5e: {  	_ = 	snop;
	(pc) =	sbr.rel @p1 .LBB1_9-.Ltmp3, $4  }
0x5f: {  	s2 =	simm.s32 $0x1;
	s29 =	sand.u32 $0x3FFFFF80, s0;
	s0 =	sand.u32 $0x1, s9  }
0x60: {  	_ =	swait.ge [sflag:s2], s29;
	s31 =	smul.u32 $0x4080, s0  }
0x61: {  	s30 =	ssub.s32 $0x0, s29;
	[sflag:s2] =	ssyncset.done $0x0  }
0x62: {  	[sflag:s2] =	ssyncadd.s32 s30;
	[dreg:$0x6] =	wrdreg s31  }
0x63: {  	s24 =	sshll.u32 @!p0 s0, $0xE;
	s0 =	rddreg [dreg:$0x6]  }
0x64: {  	s26 =	simm.s32 $0x0;
	s25 =	sor.u32 @!p0 $0x8000, s0  }
.LBB1_4:
0x65: {  	s27 =	simm.s32 $0x0  }
.LBB1_5:
0x66: {  	s0 =	sadd.s32 s26, s27  }
0x67: {  	s1 =	sshll.u32 s0, $0x10  }
0x68: {  	s1 =	sshra.s32 s1, $0x2  }
0x69: {  	s1 =	sadd.s32 s1, s24  }
0x6a: {  	s29 =	simm.s32 $0x0;
	s7 =	simm.s32 $0x0;
	s0 =	smul.u32 $0x10200, s0;
	v0 =	vmov s1  }
0x6b: {  	s31 =	simm.s32 $0x10;
	s4 =	simm.s32 $0x30;
	s3 =	simm.s32 $0x50  }
0x6c: {  	s31 =	sand.u32 $0x78, s31;
	s4 =	sand.u32 $0x78, s4;
	s0 =	sshra.s32 s0, $0x2  }
0x6d: {  	s31 =	smul.u32 $0x204, s31;
	s28 =	sadd.s32 s0, s25;
	s0 =	sand.u32 $0x78, s7  }
0x6e: {  	s4 =	smul.u32 $0x204, s4;
	s1 =	sand.u32 $0x3F80, s29;
	s2 =	sxor.u32 $0x40, s0  }
0x6f: {  	s30 =	simm.s32 $0x1;
	s3 =	sand.u32 $0x78, s3;
	s2 =	smul.u32 $0x204, s2;
	v1 =	vld.idx.msk [tilespmem:v0+s1+$0x40 ss:$0x1], $0xffff  }
0x70: {  	p0 =	sne.s32 s23, $0x1;
	s5 =	sand.u32 $0x7F, s29;
	s3 =	smul.u32 $0x204, s3  }
0x71: {  	s7 =	simm.s32 $0x20;
	s0 =	smul.u32 $0x204, s0;
	s2 =	sshrl.u32 s2, $0x2;
	v2 =	vld.idx.msk [tilespmem:v0+s1+$0x0 ss:$0x1], $0xffff  }
0x72: {  	s31 =	sshrl.u32 s31, $0x2;
	s7 =	sand.u32 $0x78, s7;
	v3 =	vld.idx.msk [tilespmem:v0+s1+$0x10 ss:$0x1], $0xffff;
	s2 =	sadd.s32 s2, s28  }
0x73: {  	s7 =	smul.u32 $0x204, s7;
	s0 =	sshrl.u32 s0, $0x2;
	v4 =	vld.idx.msk [tilespmem:v0+s1+$0x20 ss:$0x1], $0xffff;
	s2 =	sadd.s32 s5, s2  }
.Ltmp4:
0x74: {  	s4 =	sshrl.u32 s4, $0x2;
	s0 =	sadd.s32 s0, s28;
	[tilespmem:s2+$0x0 ss:$0x81] =	vst.msk $0xffff, v1;
	v1 =	vld.idx.msk [tilespmem:v0+s1+$0x30 ss:$0x1], $0xffff;
	(pc) =	sbr.rel @!p0 .LBB1_7-.Ltmp4, $4  }
0x75: {  	s20 =	sadd.s32 s31, s28;
	s7 =	sshrl.u32 s7, $0x2;
	s0 =	sadd.s32 s5, s0  }
0x76: {  	s3 =	sshrl.u32 s3, $0x2;
	s7 =	sadd.s32 s7, s28;
	[tilespmem:s0+$0x0 ss:$0x81] =	vst.msk $0xffff, v2;
	s2 =	sadd.s32 s5, s20;
	v2 =	vld.idx.msk [tilespmem:v0+s1+$0x50 ss:$0x1], $0xffff  }
0x77: {  	s6 =	sadd.s32 s4, s28;
	s20 =	sadd.s32 s5, s7;
	[tilespmem:s2+$0x0 ss:$0x81] =	vst.msk $0xffff, v3;
	s2 =	sadd.s32 s3, s28  }
0x78: {  	s31 =	simm.s32 $0x2808;
	s1 =	sadd.s32 s5, s6;
	[tilespmem:s20+$0x0 ss:$0x81] =	vst.msk $0xffff, v4;
	s0 =	sadd.s32 s5, s2  }
.LBB1_6:
0x79: {  	s2 =	sadd.s32 $0xFFFFD800, s31;
	s3 =	sadd.s32 $0xFFFFE000, s31;
	[tilespmem:s1+$0x0 ss:$0x81] =	vst.msk $0xffff, v1;
	s1 =	smov.u32 s30  }
0x7a: {  	s30 =	sadd.s32 $0x1, s30;
	s29 =	sadd.s32 $0x80, s29;
	s4 =	sadd.s32 $0xFFFFE800, s31  }
0x7b: {  	s5 =	sadd.s32 $0xFFFFF000, s31;
	s2 =	sshrl.u32 s2, $0x7;
	p0 =	sne.s32 s23, s30;
	[tilespmem:s0+$0x0 ss:$0x81] =	vst.msk $0xffff, v2  }
0x7c: {  	s6 =	sshrl.u32 s31, $0x7;
	s0 =	sand.u32 $0x3F80, s29;
	s2 =	sand.u32 $0x78, s2  }
0x7d: {  	s3 =	sshrl.u32 s3, $0x7;
	s4 =	sshrl.u32 s4, $0x7;
	v3 =	vld.idx.msk [tilespmem:v0+s0+$0x40 ss:$0x1], $0xffff;
	s7 =	sxor.u32 $0x40, s2  }
0x7e: {  	s5 =	sshrl.u32 s5, $0x7;
	s6 =	sand.u32 $0x78, s6;
	v4 =	vld.idx.msk [tilespmem:v0+s0+$0x0 ss:$0x1], $0xffff;
	s7 =	smul.u32 $0x204, s7  }
0x7f: {  	s20 =	sand.u32 $0x7F, s1;
	s3 =	sand.u32 $0x78, s3;
	s4 =	sand.u32 $0x78, s4;
	v5 =	vld.idx.msk [tilespmem:v0+s0+$0x10 ss:$0x1], $0xffff  }
0x80: {  	s5 =	sand.u32 $0x78, s5;
	s1 =	smul.u32 $0x204, s2;
	v6 =	vld.idx.msk [tilespmem:v0+s0+$0x20 ss:$0x1], $0xffff;
	s7 =	sshrl.u32 s7, $0x2  }
0x81: {  	s3 =	smul.u32 $0x204, s3;
	v1 =	vld.idx.msk [tilespmem:v0+s0+$0x30 ss:$0x1], $0xffff;
	s2 =	sadd.s32 s7, s28  }
0x82: {  	s2 =	sadd.s32 s20, s2;
	v2 =	vld.idx.msk [tilespmem:v0+s0+$0x50 ss:$0x1], $0xffff;
	s0 =	sshrl.u32 s1, $0x2;
	s1 =	smul.u32 $0x204, s4  }
0x83: {  	s4 =	smul.u32 $0x204, s6;
	[tilespmem:s2+$0x0 ss:$0x81] =	vst.msk $0xffff, v3  }
0x84: {  	s0 =	sadd.s32 s0, s28;
	s2 =	sshrl.u32 s3, $0x2;
	s3 =	smul.u32 $0x204, s5  }
.Ltmp5:
0x85: {  	s2 =	sadd.s32 s2, s28;
	s1 =	sshrl.u32 s1, $0x2;
	(pc) =	sbr.rel @p0 .LBB1_6-.Ltmp5, $4  }
0x86: {  	s0 =	sadd.s32 s20, s0;
	s1 =	sadd.s32 s1, s28;
	s3 =	sshrl.u32 s3, $0x2  }
0x87: {  	[tilespmem:s0+$0x0 ss:$0x81] =	vst.msk $0xffff, v4;
	s0 =	sadd.s32 s20, s2;
	s2 =	sadd.s32 s3, s28;
	s3 =	sshrl.u32 s4, $0x2  }
0x88: {  	[tilespmem:s0+$0x0 ss:$0x81] =	vst.msk $0xffff, v5;
	s0 =	sadd.s32 s20, s1;
	s1 =	sadd.s32 s20, s2;
	s2 =	sadd.s32 s3, s28  }
0x89: {  	s31 =	sadd.s32 $0x8, s31;
	[tilespmem:s0+$0x0 ss:$0x81] =	vst.msk $0xffff, v6;
	s0 =	sadd.s32 s20, s2  }
.LBB1_7:
0x8a: {  	s27 =	sadd.s32 $0x1, s27  }
0x8b: {  	p0 =	sne.s32 s27, s22  }
.Ltmp6:
0x8c: {  	_ = 	snop;
	(pc) =	sbr.rel @p0 .LBB1_5-.Ltmp6, $3  }
0x8d: {  	_ =	sdelay $0x1  }
0x8e: {  	[tilespmem:s1+$0x0 ss:$0x81] =	vst.msk $0xffff, v1  }
0x8f: {  	[tilespmem:s0+$0x0 ss:$0x81] =	vst.msk $0xffff, v2  }
0x90: {  	s26 =	sadd.s32 $0x1, s26  }
0x91: {  	p0 =	sne.s32 s26, s21  }
.Ltmp7:
0x92: {  	_ = 	snop;
	(pc) =	sbr.rel @p0 .LBB1_4-.Ltmp7, $4  }
.Ltmp8:
0x93: {  	_ = 	snop;
	(pc) =	sbr.rel @!p0 .LBB1_9-.Ltmp8, $4  }
0x94: {  	_ = 	snop  }
0x95: {  	_ = 	snop  }
0x96: {  	_ = 	snop  }
0x97: {  	_ = 	snop  }
.LBB1_11:
0x98: {  	_ =	sfence.sel $0x180000  }
0x99: {  	s0 =	simm.s32 $0x1;
	[bflag:$0x0] =	sbarrier.arrive $0xFFFF  }
0x9a: {  	s30 =	simm.s32 $0x2;
	[sflag:s0] =	ssyncpa.u1 $0x1  }
0x9b: {  	[sflag:s30] =	ssyncpa.u1 $0x1  }
0x9c: {  	_ =	strace $0x9000004A  }
0x9d: {  	s31 =	stileid.u32;
	[bflag:$0x2] =	sbarrier.arrive $0xFFFF  }
0x9e: {  	p0 =	sne.s32 s31, $0x0;
	s0 =	rddreg [dreg:$0x2]  }
0x9f: {  	s0 =	sadd.s32 @!p0 $0x100000, s0  }
0xa0: {  	[sflag:s0] =	ssyncadd.tile.s32 @!p0 $0x1;
	_ =	shalt  }
.Lfunc_end1:
_tile_overlayer_lowered:
.L_overlay_start_2:
0xa1: {  	(tag) =	ssettag $0x2  }
0xa2: {  	s0 =	rddreg [dreg:$0x0];
	s2 =	stileid.u32  }
0xa3: {  	s1 =	rddreg [dreg:$0x1];
	p0 =	sne.s32 s2, $0x0  }
0xa4: {  	s3 =	rddreg [dreg:$0x2];
	[bflag:$0x3] =	sbarrier.arrive $0xFFFF;
	s2 =	simm.s32 @!p0 $0x1C01  }
0xa5: {  	[timem:s3], [sflag:s2] =	dma.local @!p0 [hbm:s0], s1  }
0xa6: {  	s0 =	simm.s32 @!p0 $0x1  }
0xa7: {  	_ =	swait.ge @!p0 [sflag:s0], s1  }
0xa8: {  	s1 =	ssub.s32 @!p0 $0x0, s1;
	[sflag:s0] =	ssyncset.done @!p0 $0x0  }
0xa9: {  	[sflag:s0] =	ssyncadd.s32 @!p0 s1  }
0xaa: {  	[bflag:$0x3] =	sbarrier.arrive $0xFFFF  }
0xab: {  	_ =	shalt  }

</sc_bundles>
